<compile_context>
chip_gen: v7x
topology: tpu7x:2x2x1
jax: 0.10.2.dev20260603
libtpu: 0.0.44.dev20260713+nightly
codegen_flags: <defaults>
</compile_context>

<pallas_src>
import dataclasses
import functools

import jax
import jax.numpy as jnp
from jax import lax
from jax.experimental import pallas as pl
from jax.experimental.pallas import tpu as pltpu
from jax.experimental.pallas import tpu_sc as plsc

MAX_NORM = 1.0 - 0.0001
MAX_NORM_SQ = MAX_NORM * MAX_NORM
LANES = 16
GATHER_W = 128
NUM_CORES = 2
NUM_SUBCORES = 16
NUM_WORKERS = NUM_CORES * NUM_SUBCORES


def _pad_rows(wt, *, n, m, vblk):

    def body(x_ref, o_ref):
        o_ref[:, :m] = x_ref[...].T
        o_ref[:, m:] = jnp.zeros((vblk, GATHER_W - m), jnp.float32)

    return pl.pallas_call(
        body,
        grid=((n + vblk - 1) // vblk,),
        in_specs=[pl.BlockSpec((m, vblk), lambda i: (0, i))],
        out_specs=pl.BlockSpec((vblk, GATHER_W), lambda i: (i, 0)),
        out_shape=jax.ShapeDtypeStruct((n, GATHER_W), jnp.float32),
    )(wt)


@functools.partial(jax.jit, static_argnames=("bsz", "hist", "m", "rows_blk"))
def _sc_embed(x_flat, w_pad, *, bsz, hist, m, rows_blk):
    b = bsz * hist
    per_w = b // NUM_WORKERS
    chunk = rows_blk * hist
    n_chunks = per_w // chunk
    n_sub = m // LANES

    mesh = plsc.VectorSubcoreMesh(core_axis_name="c", subcore_axis_name="s")

    cparams = pltpu.CompilerParams()
    if "needs_layout_passes" in pltpu.CompilerParams.__dataclass_fields__:
        cparams = dataclasses.replace(cparams, needs_layout_passes=False)
    if "use_tc_tiling_on_sc" in pltpu.CompilerParams.__dataclass_fields__:
        cparams = dataclasses.replace(cparams, use_tc_tiling_on_sc=True)

    @functools.partial(
        pl.kernel,
        out_type=jax.ShapeDtypeStruct((b, m), jnp.float32),
        mesh=mesh,
        compiler_params=cparams,
        scratch_types=[
            pltpu.VMEM((chunk,), jnp.int32),
            pltpu.VMEM((chunk,), jnp.int32),
            pltpu.VMEM((chunk, GATHER_W), jnp.float32),
            pltpu.VMEM((chunk, GATHER_W), jnp.float32),
            pltpu.VMEM((chunk, m), jnp.float32),
            pltpu.SemaphoreType.DMA,
            pltpu.SemaphoreType.DMA,
        ],
    )
    def body(
        x_hbm, w_hbm, out_hbm, idx_a, idx_b, gbuf_a, gbuf_b, stage, sem0, sem1
    ):
        wid = lax.axis_index("s") * NUM_CORES + lax.axis_index("c")
        base = wid * per_w
        idxs = (idx_a, idx_b)
        gbufs = (gbuf_a, gbuf_b)
        sems = (sem0, sem1)

        def fetch(k, buf):
            off = base + k * chunk
            pltpu.sync_copy(x_hbm.at[pl.ds(off, chunk)], idxs[buf])
            pltpu.async_copy(w_hbm.at[idxs[buf]], gbufs[buf], sems[buf])

        def process(k, phase):
            off = base + k * chunk
            gbuf = gbufs[phase]
            pltpu.make_async_copy(
                w_hbm.at[pl.ds(0, chunk)], gbuf, sems[phase]
            ).wait()

            @pl.when(k + 1 < n_chunks)
            def _():
                fetch(k + 1, 1 - phase)

            def repack_row(q, gmax):
                p = jnp.zeros((LANES,), jnp.float32)
                for j in range(n_sub):
                    v = gbuf[q, pl.ds(j * LANES, LANES)]
                    stage[q, pl.ds(j * LANES, LANES)] = v
                    p = p + v * v
                return jnp.maximum(gmax, p)

            gmax = lax.fori_loop(
                0, chunk, repack_row, jnp.zeros((LANES,), jnp.float32)
            )
            bound = jnp.sum(gmax)

            @pl.when(bound > MAX_NORM_SQ)
            def _():
                def fix_row(q, carry):
                    vs = [
                        stage[q, pl.ds(j * LANES, LANES)]
                        for j in range(n_sub)
                    ]
                    p = jnp.zeros((LANES,), jnp.float32)
                    for v in vs:
                        p = p + v * v
                    s2 = jnp.sum(p)
                    s2v = lax.broadcast(s2, (LANES,))
                    bits = lax.bitcast_convert_type(s2v, jnp.int32)
                    y = lax.bitcast_convert_type(
                        0x5F3759DF - (bits >> 1), jnp.float32
                    )
                    for _ in range(3):
                        y = y * (1.5 - 0.5 * s2v * y * y)
                    norm = s2v * y
                    scale = jnp.where(
                        s2v > MAX_NORM_SQ,
                        MAX_NORM / (norm + 1e-7),
                        jnp.float32(1.0),
                    )
                    for j, v in enumerate(vs):
                        stage[q, pl.ds(j * LANES, LANES)] = v * scale
                    return carry

                lax.fori_loop(0, chunk, fix_row, 0)

            pltpu.sync_copy(stage, out_hbm.at[pl.ds(off, chunk)])

        fetch(0, 0)

        @pl.loop(0, n_chunks // 2)
        def _(kk):
            process(kk * 2, 0)
            process(kk * 2 + 1, 1)

    return body(x_flat, w_pad)


def _to_batch_minor(out2d, *, bsz, hist, m, bblk):

    def body(x_ref, o_ref):
        o_ref[...] = x_ref[...].reshape(bblk, hist, m).transpose(1, 2, 0)

    return pl.pallas_call(
        body,
        grid=(bsz // bblk,),
        in_specs=[pl.BlockSpec((bblk * hist, m), lambda i: (i, 0))],
        out_specs=pl.BlockSpec((hist, m, bblk), lambda i: (0, 0, i)),
        out_shape=jax.ShapeDtypeStruct((hist, m, bsz), jnp.float32),
    )(out2d)


def kernel(x, weight):
    bsz, hist = x.shape
    n, m = weight.shape
    x_flat = x.reshape(bsz * hist).astype(jnp.int32)
    w_pad = _pad_rows(weight.T, n=n, m=m, vblk=32768)
    out = _sc_embed(x_flat, w_pad, bsz=bsz, hist=hist, m=m, rows_blk=4)
    out_t = _to_batch_minor(out, bsz=bsz, hist=hist, m=m, bblk=128)
    return out_t.transpose(2, 0, 1)

# --- scband reference (transcript-rebuilt; emitter-appended) ---
"""Pipeline reference for scband-poincare-embedding-8237747274156 (READ-ONLY COPY).

The authoritative reference and input builder live on the scoring server;
editing this copy changes nothing except your own understanding.
"""

import jax, jax.numpy as jnp
import numpy as np

N = 1000000
M = 64
MAX_NORM = 1.0 - 0.0001
BATCH = 4096
HIST = 50


def setup_inputs(seed: int = 0) -> dict:
    key = jax.random.key(seed)
    k1, k2 = jax.random.split(key)
    x = jax.random.randint(k1, (BATCH, HIST), 0, N)
    # nn.Embedding default init is N(0,1); module scales weights by 0.01
    weight = jax.random.normal(k2, (N, M), dtype=jnp.float32) * 0.01
    return {"x": x, "weight": weight}


def reference(x, weight):
    # Faithful translation of nn.Embedding(N, M, max_norm=1-1e-4):
    # rows that are looked up get renormalized to max_norm if their L2 norm exceeds it,
    # then gathered.
    out = jnp.take(weight, x, axis=0)  # [B, L, M]
    norms = jnp.linalg.norm(out, axis=-1, keepdims=True)
    scale = jnp.where(norms > MAX_NORM, MAX_NORM / (norms + 1e-7), 1.0)
    return out * scale

if __name__ == "__main__":
    import jax
    _d = setup_inputs()
    print(jax.jit(kernel)(*tuple(_d.values())))

</pallas_src>

<mosaic_0001>
#map = affine_map<(d0, d1) -> (0)>
#map1 = affine_map<(d0, d1) -> (0, 0)>
module attributes {stable_mosaic.version = 14 : i64} {
  func.func @body(%arg0: i32, %arg1: i32, %arg2: memref<204800xi32, #tpu.memory_space<hbm>>, %arg3: memref<1000000x128xf32, #tpu.memory_space<hbm>>, %arg4: memref<204800x64xf32, #tpu.memory_space<hbm>>, %arg5: memref<200xi32, #tpu.memory_space<vmem>>, %arg6: memref<200xi32, #tpu.memory_space<vmem>>, %arg7: memref<200x128xf32, #tpu.memory_space<vmem>>, %arg8: memref<200x128xf32, #tpu.memory_space<vmem>>, %arg9: memref<200x64xf32, #tpu.memory_space<vmem>>, %arg10: memref<!tpu.dma_semaphore, #tpu.memory_space<semaphore_mem>>, %arg11: memref<!tpu.dma_semaphore, #tpu.memory_space<semaphore_mem>>) attributes {dimension_semantics = [#tpu.dimension_semantics<core_parallel>, #tpu.dimension_semantics<subcore_parallel>], iteration_bounds = array<i64: 2, 16>, scalar_prefetch = 0 : i64, scratch_operands = 7 : i64, tpu.core_type = #tpu.core_type<sc_vector_subcore>, window_params = [{transform_indices = #map}, {transform_indices = #map1}, {transform_indices = #map1}]} {
    %mul3A = arith.constant 2 : i32
    %mul3A_0 = arith.muli %arg1, %mul3A : i32
    %add3A = arith.addi %mul3A_0, %arg0 : i32
    %mul3A_1 = arith.constant 6400 : i32
    %mul3A_2 = arith.muli %add3A, %mul3A_1 : i32
    %add3A_3 = arith.constant 0 : i32
    %add3A_4 = arith.addi %mul3A_2, %add3A_3 : i32
    "tpu.region"() ({
      %run_scoped3A = tpu.sem_alloc : memref<!tpu.dma_semaphore, #tpu.memory_space<semaphore_mem>>
      %dma_start3A_11 = tpu.memref_slice %arg2[%add3A_4] : memref<204800xi32, #tpu.memory_space<hbm>> -> memref<200xi32, #tpu.memory_space<hbm>>
      %dma_start3A_12 = tpu.memref_slice %arg2[%add3A_4] : memref<204800xi32, #tpu.memory_space<hbm>> -> memref<200xi32, #tpu.memory_space<hbm>>
      tpu.enqueue_dma source(%dma_start3A_12 : memref<200xi32, #tpu.memory_space<hbm>>) target(%arg5 : memref<200xi32, #tpu.memory_space<vmem>>) target_semaphore(%run_scoped3A : memref<!tpu.dma_semaphore, #tpu.memory_space<semaphore_mem>>)
      %dma_wait3A = tpu.memref_slice %arg2[%add3A_4] : memref<204800xi32, #tpu.memory_space<hbm>> -> memref<200xi32, #tpu.memory_space<hbm>>
      %dma_wait3A_13 = tpu.memref_slice %arg2[%add3A_4] : memref<204800xi32, #tpu.memory_space<hbm>> -> memref<200xi32, #tpu.memory_space<hbm>>
      tpu.wait_dma2 semaphore(%run_scoped3A : memref<!tpu.dma_semaphore, #tpu.memory_space<semaphore_mem>>) src(%dma_wait3A_13 : memref<200xi32, #tpu.memory_space<hbm>>) dst(%arg5 : memref<200xi32, #tpu.memory_space<vmem>>)
      tpu.yield
    }) : () -> ()
    %dma_start3A = arith.constant 0 : i32
    %dma_start3A_5 = arith.constant 0 : i32
    %dma_start3A_6 = tpu.memref_slice %arg3[%dma_start3A, %dma_start3A_5] : memref<1000000x128xf32, #tpu.memory_space<hbm>> -> memref<1000000x128xf32, #tpu.memory_space<hbm>>
    tpu.enqueue_indirect_dma source(%dma_start3A_6 : memref<1000000x128xf32, #tpu.memory_space<hbm>>) target(%arg7 : memref<200x128xf32, #tpu.memory_space<vmem>>) offsets(%arg5 : memref<200xi32, #tpu.memory_space<vmem>>) semaphore(%arg10 : memref<!tpu.dma_semaphore, #tpu.memory_space<semaphore_mem>>)
    %scan3A = arith.constant 0 : i32
    %scan3A_7 = arith.constant 16 : i32
    %scan3A_8 = arith.addi %scan3A, %scan3A_7 : i32
    %scan3A_9 = arith.constant 1 : i32
    scf.for %scan3A_11 = %scan3A to %scan3A_8 step %scan3A_9  : i32 {
      %mul3A_12 = arith.constant 1 : i32
      %mul3A_13 = arith.muli %scan3A_11, %mul3A_12 : i32
      %add3A_14 = arith.constant 0 : i32
      %add3A_15 = arith.addi %add3A_14, %mul3A_13 : i32
      %mul3A_16 = arith.constant 2 : i32
      %mul3A_17 = arith.muli %add3A_15, %mul3A_16 : i32
      %mul3A_18 = arith.constant 200 : i32
      %mul3A_19 = arith.muli %mul3A_17, %mul3A_18 : i32
      %add3A_20 = arith.addi %mul3A_2, %mul3A_19 : i32
      %dma_wait3A = arith.constant 0 : i32
      %dma_wait3A_21 = arith.constant 0 : i32
      %dma_wait3A_22 = tpu.memref_slice %arg3[%dma_wait3A, %dma_wait3A_21] : memref<1000000x128xf32, #tpu.memory_space<hbm>> -> memref<200x128xf32, #tpu.memory_space<hbm>>
      %dma_wait3A_23 = arith.constant 0 : i32
      %dma_wait3A_24 = arith.constant 0 : i32
      %dma_wait3A_25 = tpu.memref_slice %arg3[%dma_wait3A_23, %dma_wait3A_24] : memref<1000000x128xf32, #tpu.memory_space<hbm>> -> memref<200x128xf32, #tpu.memory_space<hbm>>
      tpu.wait_dma2 semaphore(%arg10 : memref<!tpu.dma_semaphore, #tpu.memory_space<semaphore_mem>>) src(%dma_wait3A_25 : memref<200x128xf32, #tpu.memory_space<hbm>>) dst(%arg7 : memref<200x128xf32, #tpu.memory_space<vmem>>)
      %add3A_26 = arith.constant 1 : i32
      %add3A_27 = arith.addi %mul3A_17, %add3A_26 : i32
      %lt3A = arith.constant 32 : i32
      %lt3A_28 = arith.cmpi slt, %add3A_27, %lt3A : i32
      %convert_element_type3A = arith.extui %lt3A_28 : i1 to i32
      %cond3A = arith.constant 0 : i32
      %cond3A_29 = arith.cmpi ne, %convert_element_type3A, %cond3A : i32
      scf.if %cond3A_29 {
        %add3A_81 = arith.constant 1 : i32
        %add3A_82 = arith.addi %mul3A_17, %add3A_81 : i32
        %mul3A_83 = arith.constant 200 : i32
        %mul3A_84 = arith.muli %add3A_82, %mul3A_83 : i32
        %add3A_85 = arith.addi %mul3A_2, %mul3A_84 : i32
        "tpu.region"() ({
          %run_scoped3A = tpu.sem_alloc : memref<!tpu.dma_semaphore, #tpu.memory_space<semaphore_mem>>
          %dma_start3A_89 = tpu.memref_slice %arg2[%add3A_85] : memref<204800xi32, #tpu.memory_space<hbm>> -> memref<200xi32, #tpu.memory_space<hbm>>
          %dma_start3A_90 = tpu.memref_slice %arg2[%add3A_85] : memref<204800xi32, #tpu.memory_space<hbm>> -> memref<200xi32, #tpu.memory_space<hbm>>
          tpu.enqueue_dma source(%dma_start3A_90 : memref<200xi32, #tpu.memory_space<hbm>>) target(%arg6 : memref<200xi32, #tpu.memory_space<vmem>>) target_semaphore(%run_scoped3A : memref<!tpu.dma_semaphore, #tpu.memory_space<semaphore_mem>>)
          %dma_wait3A_91 = tpu.memref_slice %arg2[%add3A_85] : memref<204800xi32, #tpu.memory_space<hbm>> -> memref<200xi32, #tpu.memory_space<hbm>>
          %dma_wait3A_92 = tpu.memref_slice %arg2[%add3A_85] : memref<204800xi32, #tpu.memory_space<hbm>> -> memref<200xi32, #tpu.memory_space<hbm>>
          tpu.wait_dma2 semaphore(%run_scoped3A : memref<!tpu.dma_semaphore, #tpu.memory_space<semaphore_mem>>) src(%dma_wait3A_92 : memref<200xi32, #tpu.memory_space<hbm>>) dst(%arg6 : memref<200xi32, #tpu.memory_space<vmem>>)
          tpu.yield
        }) : () -> ()
        %dma_start3A_86 = arith.constant 0 : i32
        %dma_start3A_87 = arith.constant 0 : i32
        %dma_start3A_88 = tpu.memref_slice %arg3[%dma_start3A_86, %dma_start3A_87] : memref<1000000x128xf32, #tpu.memory_space<hbm>> -> memref<1000000x128xf32, #tpu.memory_space<hbm>>
        tpu.enqueue_indirect_dma source(%dma_start3A_88 : memref<1000000x128xf32, #tpu.memory_space<hbm>>) target(%arg8 : memref<200x128xf32, #tpu.memory_space<vmem>>) offsets(%arg6 : memref<200xi32, #tpu.memory_space<vmem>>) semaphore(%arg11 : memref<!tpu.dma_semaphore, #tpu.memory_space<semaphore_mem>>)
      } else {
      }
      %broadcast_in_dim3A = arith.constant 0.000000e+00 : f32
      %broadcast_in_dim3A_30 = vector.broadcast %broadcast_in_dim3A : f32 to vector<16xf32>
      %scan3A_31 = arith.constant 0 : i32
      %scan3A_32 = arith.constant 200 : i32
      %scan3A_33 = arith.addi %scan3A_31, %scan3A_32 : i32
      %scan3A_34 = arith.constant 1 : i32
      %scan3A_35 = scf.for %scan3A_81 = %scan3A_31 to %scan3A_33 step %scan3A_34 iter_args(%scan3A_82 = %broadcast_in_dim3A_30) -> (vector<16xf32>)  : i32 {
        %broadcast_in_dim3A_83 = arith.constant 0.000000e+00 : f32
        %broadcast_in_dim3A_84 = vector.broadcast %broadcast_in_dim3A_83 : f32 to vector<16xf32>
        %get3A = arith.index_cast %scan3A_81 : i32 to index
        %get3A_85 = arith.constant 0 : index
        %get3A_86 = tpu.vector_load %arg7[%get3A, %get3A_85] {strides = array<i32>} : memref<200x128xf32, #tpu.memory_space<vmem>>, vector<16xf32>,
        %swap3A = arith.index_cast %scan3A_81 : i32 to index
        %swap3A_87 = arith.constant 0 : index
        %swap3A_88 = tpu.vector_load %arg9[%swap3A, %swap3A_87] {strides = array<i32>} : memref<200x64xf32, #tpu.memory_space<vmem>>, vector<16xf32>,
        tpu.vector_store %arg9[%swap3A, %swap3A_87], %get3A_86 {strides = array<i32>} : memref<200x64xf32, #tpu.memory_space<vmem>>, vector<16xf32>,
        %mul3A_89 = arith.mulf %get3A_86, %get3A_86 : vector<16xf32>
        %add3A_90 = arith.addf %broadcast_in_dim3A_84, %mul3A_89 : vector<16xf32>
        %get3A_91 = arith.index_cast %scan3A_81 : i32 to index
        %get3A_92 = arith.constant 16 : index
        %get3A_93 = tpu.vector_load %arg7[%get3A_91, %get3A_92] {strides = array<i32>} : memref<200x128xf32, #tpu.memory_space<vmem>>, vector<16xf32>,
        %swap3A_94 = arith.index_cast %scan3A_81 : i32 to index
        %swap3A_95 = arith.constant 16 : index
        %swap3A_96 = tpu.vector_load %arg9[%swap3A_94, %swap3A_95] {strides = array<i32>} : memref<200x64xf32, #tpu.memory_space<vmem>>, vector<16xf32>,
        tpu.vector_store %arg9[%swap3A_94, %swap3A_95], %get3A_93 {strides = array<i32>} : memref<200x64xf32, #tpu.memory_space<vmem>>, vector<16xf32>,
        %mul3A_97 = arith.mulf %get3A_93, %get3A_93 : vector<16xf32>
        %add3A_98 = arith.addf %add3A_90, %mul3A_97 : vector<16xf32>
        %get3A_99 = arith.index_cast %scan3A_81 : i32 to index
        %get3A_100 = arith.constant 32 : index
        %get3A_101 = tpu.vector_load %arg7[%get3A_99, %get3A_100] {strides = array<i32>} : memref<200x128xf32, #tpu.memory_space<vmem>>, vector<16xf32>,
        %swap3A_102 = arith.index_cast %scan3A_81 : i32 to index
        %swap3A_103 = arith.constant 32 : index
        %swap3A_104 = tpu.vector_load %arg9[%swap3A_102, %swap3A_103] {strides = array<i32>} : memref<200x64xf32, #tpu.memory_space<vmem>>, vector<16xf32>,
        tpu.vector_store %arg9[%swap3A_102, %swap3A_103], %get3A_101 {strides = array<i32>} : memref<200x64xf32, #tpu.memory_space<vmem>>, vector<16xf32>,
        %mul3A_105 = arith.mulf %get3A_101, %get3A_101 : vector<16xf32>
        %add3A_106 = arith.addf %add3A_98, %mul3A_105 : vector<16xf32>
        %get3A_107 = arith.index_cast %scan3A_81 : i32 to index
        %get3A_108 = arith.constant 48 : index
        %get3A_109 = tpu.vector_load %arg7[%get3A_107, %get3A_108] {strides = array<i32>} : memref<200x128xf32, #tpu.memory_space<vmem>>, vector<16xf32>,
        %swap3A_110 = arith.index_cast %scan3A_81 : i32 to index
        %swap3A_111 = arith.constant 48 : index
        %swap3A_112 = tpu.vector_load %arg9[%swap3A_110, %swap3A_111] {strides = array<i32>} : memref<200x64xf32, #tpu.memory_space<vmem>>, vector<16xf32>,
        tpu.vector_store %arg9[%swap3A_110, %swap3A_111], %get3A_109 {strides = array<i32>} : memref<200x64xf32, #tpu.memory_space<vmem>>, vector<16xf32>,
        %mul3A_113 = arith.mulf %get3A_109, %get3A_109 : vector<16xf32>
        %add3A_114 = arith.addf %add3A_106, %mul3A_113 : vector<16xf32>
        %max3A = arith.maximumf %scan3A_82, %add3A_114 : vector<16xf32>
        scf.yield %max3A : vector<16xf32>
      }
      %scan3A_36 = arith.constant 200 : i32
      %reduce_sum3A = arith.constant true
      %reduce_sum3A_37 = vector.broadcast %reduce_sum3A : i1 to vector<16xi1>
      %reduce_sum3A_38 = tpu.scan <sum>, %scan3A_35 masked %reduce_sum3A_37 : vector<16xf32>, vector<16xi1> -> vector<16xf32>
      %reduce_sum3A_39 = vector.extract %reduce_sum3A_38[15] : f32 from vector<16xf32>
      %gt3A = arith.constant 9.998000e-01 : f32
      %gt3A_40 = arith.cmpf ogt, %reduce_sum3A_39, %gt3A : f32
      %convert_element_type3A_41 = arith.extui %gt3A_40 : i1 to i32
      %cond3A_42 = arith.constant 0 : i32
      %cond3A_43 = arith.cmpi ne, %convert_element_type3A_41, %cond3A_42 : i32
      scf.if %cond3A_43 {
        %scan3A_81 = arith.constant 0 : i32
        %scan3A_82 = arith.constant 0 : i32
        %scan3A_83 = arith.constant 200 : i32
        %scan3A_84 = arith.addi %scan3A_82, %scan3A_83 : i32
        %scan3A_85 = arith.constant 1 : i32
        scf.for %scan3A_87 = %scan3A_82 to %scan3A_84 step %scan3A_85  : i32 {
          %get3A = arith.index_cast %scan3A_87 : i32 to index
          %get3A_88 = arith.constant 0 : index
          %get3A_89 = tpu.vector_load %arg9[%get3A, %get3A_88] {strides = array<i32>} : memref<200x64xf32, #tpu.memory_space<vmem>>, vector<16xf32>,
          %get3A_90 = arith.index_cast %scan3A_87 : i32 to index
          %get3A_91 = arith.constant 16 : index
          %get3A_92 = tpu.vector_load %arg9[%get3A_90, %get3A_91] {strides = array<i32>} : memref<200x64xf32, #tpu.memory_space<vmem>>, vector<16xf32>,
          %get3A_93 = arith.index_cast %scan3A_87 : i32 to index
          %get3A_94 = arith.constant 32 : index
          %get3A_95 = tpu.vector_load %arg9[%get3A_93, %get3A_94] {strides = array<i32>} : memref<200x64xf32, #tpu.memory_space<vmem>>, vector<16xf32>,
          %get3A_96 = arith.index_cast %scan3A_87 : i32 to index
          %get3A_97 = arith.constant 48 : index
          %get3A_98 = tpu.vector_load %arg9[%get3A_96, %get3A_97] {strides = array<i32>} : memref<200x64xf32, #tpu.memory_space<vmem>>, vector<16xf32>,
          %broadcast_in_dim3A_99 = arith.constant 0.000000e+00 : f32
          %broadcast_in_dim3A_100 = vector.broadcast %broadcast_in_dim3A_99 : f32 to vector<16xf32>
          %mul3A_101 = arith.mulf %get3A_89, %get3A_89 : vector<16xf32>
          %add3A_102 = arith.addf %broadcast_in_dim3A_100, %mul3A_101 : vector<16xf32>
          %mul3A_103 = arith.mulf %get3A_92, %get3A_92 : vector<16xf32>
          %add3A_104 = arith.addf %add3A_102, %mul3A_103 : vector<16xf32>
          %mul3A_105 = arith.mulf %get3A_95, %get3A_95 : vector<16xf32>
          %add3A_106 = arith.addf %add3A_104, %mul3A_105 : vector<16xf32>
          %mul3A_107 = arith.mulf %get3A_98, %get3A_98 : vector<16xf32>
          %add3A_108 = arith.addf %add3A_106, %mul3A_107 : vector<16xf32>
          %reduce_sum3A_109 = arith.constant true
          %reduce_sum3A_110 = vector.broadcast %reduce_sum3A_109 : i1 to vector<16xi1>
          %reduce_sum3A_111 = tpu.scan <sum>, %add3A_108 masked %reduce_sum3A_110 : vector<16xf32>, vector<16xi1> -> vector<16xf32>
          %reduce_sum3A_112 = vector.extract %reduce_sum3A_111[15] : f32 from vector<16xf32>
          %broadcast_in_dim3A_113 = vector.broadcast %reduce_sum3A_112 : f32 to vector<16xf32>
          %bitcast_convert_type3A = tpu.bitcast %broadcast_in_dim3A_113 : vector<16xf32> -> vector<16xi32>
          %shift_right_arithmetic3A = arith.constant 1 : i32
          %shift_right_arithmetic3A_114 = vector.broadcast %shift_right_arithmetic3A : i32 to vector<16xi32>
          %shift_right_arithmetic3A_115 = arith.shrsi %bitcast_convert_type3A, %shift_right_arithmetic3A_114 : vector<16xi32>
          %sub3A = arith.constant 1597463007 : i32
          %sub3A_116 = vector.broadcast %sub3A : i32 to vector<16xi32>
          %sub3A_117 = arith.subi %sub3A_116, %shift_right_arithmetic3A_115 : vector<16xi32>
          %bitcast_convert_type3A_118 = tpu.bitcast %sub3A_117 : vector<16xi32> -> vector<16xf32>
          %mul3A_119 = arith.constant 5.000000e-01 : f32
          %mul3A_120 = vector.broadcast %mul3A_119 : f32 to vector<16xf32>
          %mul3A_121 = arith.mulf %mul3A_120, %broadcast_in_dim3A_113 : vector<16xf32>
          %mul3A_122 = arith.mulf %mul3A_121, %bitcast_convert_type3A_118 : vector<16xf32>
          %mul3A_123 = arith.mulf %mul3A_122, %bitcast_convert_type3A_118 : vector<16xf32>
          %sub3A_124 = arith.constant 1.500000e+00 : f32
          %sub3A_125 = vector.broadcast %sub3A_124 : f32 to vector<16xf32>
          %sub3A_126 = arith.subf %sub3A_125, %mul3A_123 : vector<16xf32>
          %mul3A_127 = arith.mulf %bitcast_convert_type3A_118, %sub3A_126 : vector<16xf32>
          %mul3A_128 = arith.constant 5.000000e-01 : f32
          %mul3A_129 = vector.broadcast %mul3A_128 : f32 to vector<16xf32>
          %mul3A_130 = arith.mulf %mul3A_129, %broadcast_in_dim3A_113 : vector<16xf32>
          %mul3A_131 = arith.mulf %mul3A_130, %mul3A_127 : vector<16xf32>
          %mul3A_132 = arith.mulf %mul3A_131, %mul3A_127 : vector<16xf32>
          %sub3A_133 = arith.constant 1.500000e+00 : f32
          %sub3A_134 = vector.broadcast %sub3A_133 : f32 to vector<16xf32>
          %sub3A_135 = arith.subf %sub3A_134, %mul3A_132 : vector<16xf32>
          %mul3A_136 = arith.mulf %mul3A_127, %sub3A_135 : vector<16xf32>
          %mul3A_137 = arith.constant 5.000000e-01 : f32
          %mul3A_138 = vector.broadcast %mul3A_137 : f32 to vector<16xf32>
          %mul3A_139 = arith.mulf %mul3A_138, %broadcast_in_dim3A_113 : vector<16xf32>
          %mul3A_140 = arith.mulf %mul3A_139, %mul3A_136 : vector<16xf32>
          %mul3A_141 = arith.mulf %mul3A_140, %mul3A_136 : vector<16xf32>
          %sub3A_142 = arith.constant 1.500000e+00 : f32
          %sub3A_143 = vector.broadcast %sub3A_142 : f32 to vector<16xf32>
          %sub3A_144 = arith.subf %sub3A_143, %mul3A_141 : vector<16xf32>
          %mul3A_145 = arith.mulf %mul3A_136, %sub3A_144 : vector<16xf32>
          %mul3A_146 = arith.mulf %broadcast_in_dim3A_113, %mul3A_145 : vector<16xf32>
          %gt3A_147 = arith.constant 9.998000e-01 : f32
          %gt3A_148 = vector.broadcast %gt3A_147 : f32 to vector<16xf32>
          %gt3A_149 = arith.cmpf ogt, %broadcast_in_dim3A_113, %gt3A_148 : vector<16xf32>
          %add3A_150 = arith.constant 1.000000e-07 : f32
          %add3A_151 = vector.broadcast %add3A_150 : f32 to vector<16xf32>
          %add3A_152 = arith.addf %mul3A_146, %add3A_151 : vector<16xf32>
          %div3A = arith.constant 0.999899983 : f32
          %div3A_153 = vector.broadcast %div3A : f32 to vector<16xf32>
          %div3A_154 = arith.divf %div3A_153, %add3A_152 : vector<16xf32>
          %jit3A = arith.constant 1.000000e+00 : f32
          %broadcast_in_dim3A_155 = vector.broadcast %jit3A : f32 to vector<16xf32>
          %select_n3A = arith.select %gt3A_149, %div3A_154, %broadcast_in_dim3A_155 : vector<16xi1>, vector<16xf32>
          %mul3A_156 = arith.mulf %get3A_89, %select_n3A : vector<16xf32>
          %swap3A = arith.index_cast %scan3A_87 : i32 to index
          %swap3A_157 = arith.constant 0 : index
          %swap3A_158 = tpu.vector_load %arg9[%swap3A, %swap3A_157] {strides = array<i32>} : memref<200x64xf32, #tpu.memory_space<vmem>>, vector<16xf32>,
          tpu.vector_store %arg9[%swap3A, %swap3A_157], %mul3A_156 {strides = array<i32>} : memref<200x64xf32, #tpu.memory_space<vmem>>, vector<16xf32>,
          %mul3A_159 = arith.mulf %get3A_92, %select_n3A : vector<16xf32>
          %swap3A_160 = arith.index_cast %scan3A_87 : i32 to index
          %swap3A_161 = arith.constant 16 : index
          %swap3A_162 = tpu.vector_load %arg9[%swap3A_160, %swap3A_161] {strides = array<i32>} : memref<200x64xf32, #tpu.memory_space<vmem>>, vector<16xf32>,
          tpu.vector_store %arg9[%swap3A_160, %swap3A_161], %mul3A_159 {strides = array<i32>} : memref<200x64xf32, #tpu.memory_space<vmem>>, vector<16xf32>,
          %mul3A_163 = arith.mulf %get3A_95, %select_n3A : vector<16xf32>
          %swap3A_164 = arith.index_cast %scan3A_87 : i32 to index
          %swap3A_165 = arith.constant 32 : index
          %swap3A_166 = tpu.vector_load %arg9[%swap3A_164, %swap3A_165] {strides = array<i32>} : memref<200x64xf32, #tpu.memory_space<vmem>>, vector<16xf32>,
          tpu.vector_store %arg9[%swap3A_164, %swap3A_165], %mul3A_163 {strides = array<i32>} : memref<200x64xf32, #tpu.memory_space<vmem>>, vector<16xf32>,
          %mul3A_167 = arith.mulf %get3A_98, %select_n3A : vector<16xf32>
          %swap3A_168 = arith.index_cast %scan3A_87 : i32 to index
          %swap3A_169 = arith.constant 48 : index
          %swap3A_170 = tpu.vector_load %arg9[%swap3A_168, %swap3A_169] {strides = array<i32>} : memref<200x64xf32, #tpu.memory_space<vmem>>, vector<16xf32>,
          tpu.vector_store %arg9[%swap3A_168, %swap3A_169], %mul3A_167 {strides = array<i32>} : memref<200x64xf32, #tpu.memory_space<vmem>>, vector<16xf32>,
        }
        %scan3A_86 = arith.constant 200 : i32
      } else {
      }
      "tpu.region"() ({
        %run_scoped3A = tpu.sem_alloc : memref<!tpu.dma_semaphore, #tpu.memory_space<semaphore_mem>>
        %dma_start3A_81 = arith.constant 0 : i32
        %dma_start3A_82 = tpu.memref_slice %arg4[%add3A_20, %dma_start3A_81] : memref<204800x64xf32, #tpu.memory_space<hbm>> -> memref<200x64xf32, #tpu.memory_space<hbm>>
        %dma_start3A_83 = arith.constant 0 : i32
        %dma_start3A_84 = tpu.memref_slice %arg4[%add3A_20, %dma_start3A_83] : memref<204800x64xf32, #tpu.memory_space<hbm>> -> memref<200x64xf32, #tpu.memory_space<hbm>>
        tpu.enqueue_dma source(%arg9 : memref<200x64xf32, #tpu.memory_space<vmem>>) target(%dma_start3A_84 : memref<200x64xf32, #tpu.memory_space<hbm>>) target_semaphore(%run_scoped3A : memref<!tpu.dma_semaphore, #tpu.memory_space<semaphore_mem>>)
        %dma_wait3A_85 = arith.constant 0 : i32
        %dma_wait3A_86 = tpu.memref_slice %arg4[%add3A_20, %dma_wait3A_85] : memref<204800x64xf32, #tpu.memory_space<hbm>> -> memref<200x64xf32, #tpu.memory_space<hbm>>
        %dma_wait3A_87 = arith.constant 0 : i32
        %dma_wait3A_88 = tpu.memref_slice %arg4[%add3A_20, %dma_wait3A_87] : memref<204800x64xf32, #tpu.memory_space<hbm>> -> memref<200x64xf32, #tpu.memory_space<hbm>>
        tpu.wait_dma2 semaphore(%run_scoped3A : memref<!tpu.dma_semaphore, #tpu.memory_space<semaphore_mem>>) src(%arg9 : memref<200x64xf32, #tpu.memory_space<vmem>>) dst(%dma_wait3A_88 : memref<200x64xf32, #tpu.memory_space<hbm>>)
        tpu.yield
      }) : () -> ()
      %mul3A_44 = arith.constant 2 : i32
      %mul3A_45 = arith.muli %add3A_15, %mul3A_44 : i32
      %add3A_46 = arith.constant 1 : i32
      %add3A_47 = arith.addi %mul3A_45, %add3A_46 : i32
      %mul3A_48 = arith.constant 200 : i32
      %mul3A_49 = arith.muli %add3A_47, %mul3A_48 : i32
      %add3A_50 = arith.addi %mul3A_2, %mul3A_49 : i32
      %dma_wait3A_51 = arith.constant 0 : i32
      %dma_wait3A_52 = arith.constant 0 : i32
      %dma_wait3A_53 = tpu.memref_slice %arg3[%dma_wait3A_51, %dma_wait3A_52] : memref<1000000x128xf32, #tpu.memory_space<hbm>> -> memref<200x128xf32, #tpu.memory_space<hbm>>
      %dma_wait3A_54 = arith.constant 0 : i32
      %dma_wait3A_55 = arith.constant 0 : i32
      %dma_wait3A_56 = tpu.memref_slice %arg3[%dma_wait3A_54, %dma_wait3A_55] : memref<1000000x128xf32, #tpu.memory_space<hbm>> -> memref<200x128xf32, #tpu.memory_space<hbm>>
      tpu.wait_dma2 semaphore(%arg11 : memref<!tpu.dma_semaphore, #tpu.memory_space<semaphore_mem>>) src(%dma_wait3A_56 : memref<200x128xf32, #tpu.memory_space<hbm>>) dst(%arg8 : memref<200x128xf32, #tpu.memory_space<vmem>>)
      %add3A_57 = arith.constant 1 : i32
      %add3A_58 = arith.addi %add3A_47, %add3A_57 : i32
      %lt3A_59 = arith.constant 32 : i32
      %lt3A_60 = arith.cmpi slt, %add3A_58, %lt3A_59 : i32
      %convert_element_type3A_61 = arith.extui %lt3A_60 : i1 to i32
      %cond3A_62 = arith.constant 0 : i32
      %cond3A_63 = arith.cmpi ne, %convert_element_type3A_61, %cond3A_62 : i32
      scf.if %cond3A_63 {
        %add3A_81 = arith.constant 1 : i32
        %add3A_82 = arith.addi %add3A_47, %add3A_81 : i32
        %mul3A_83 = arith.constant 200 : i32
        %mul3A_84 = arith.muli %add3A_82, %mul3A_83 : i32
        %add3A_85 = arith.addi %mul3A_2, %mul3A_84 : i32
        "tpu.region"() ({
          %run_scoped3A = tpu.sem_alloc : memref<!tpu.dma_semaphore, #tpu.memory_space<semaphore_mem>>
          %dma_start3A_89 = tpu.memref_slice %arg2[%add3A_85] : memref<204800xi32, #tpu.memory_space<hbm>> -> memref<200xi32, #tpu.memory_space<hbm>>
          %dma_start3A_90 = tpu.memref_slice %arg2[%add3A_85] : memref<204800xi32, #tpu.memory_space<hbm>> -> memref<200xi32, #tpu.memory_space<hbm>>
          tpu.enqueue_dma source(%dma_start3A_90 : memref<200xi32, #tpu.memory_space<hbm>>) target(%arg5 : memref<200xi32, #tpu.memory_space<vmem>>) target_semaphore(%run_scoped3A : memref<!tpu.dma_semaphore, #tpu.memory_space<semaphore_mem>>)
          %dma_wait3A_91 = tpu.memref_slice %arg2[%add3A_85] : memref<204800xi32, #tpu.memory_space<hbm>> -> memref<200xi32, #tpu.memory_space<hbm>>
          %dma_wait3A_92 = tpu.memref_slice %arg2[%add3A_85] : memref<204800xi32, #tpu.memory_space<hbm>> -> memref<200xi32, #tpu.memory_space<hbm>>
          tpu.wait_dma2 semaphore(%run_scoped3A : memref<!tpu.dma_semaphore, #tpu.memory_space<semaphore_mem>>) src(%dma_wait3A_92 : memref<200xi32, #tpu.memory_space<hbm>>) dst(%arg5 : memref<200xi32, #tpu.memory_space<vmem>>)
          tpu.yield
        }) : () -> ()
        %dma_start3A_86 = arith.constant 0 : i32
        %dma_start3A_87 = arith.constant 0 : i32
        %dma_start3A_88 = tpu.memref_slice %arg3[%dma_start3A_86, %dma_start3A_87] : memref<1000000x128xf32, #tpu.memory_space<hbm>> -> memref<1000000x128xf32, #tpu.memory_space<hbm>>
        tpu.enqueue_indirect_dma source(%dma_start3A_88 : memref<1000000x128xf32, #tpu.memory_space<hbm>>) target(%arg7 : memref<200x128xf32, #tpu.memory_space<vmem>>) offsets(%arg5 : memref<200xi32, #tpu.memory_space<vmem>>) semaphore(%arg10 : memref<!tpu.dma_semaphore, #tpu.memory_space<semaphore_mem>>)
      } else {
      }
      %broadcast_in_dim3A_64 = arith.constant 0.000000e+00 : f32
      %broadcast_in_dim3A_65 = vector.broadcast %broadcast_in_dim3A_64 : f32 to vector<16xf32>
      %scan3A_66 = arith.constant 0 : i32
      %scan3A_67 = arith.constant 200 : i32
      %scan3A_68 = arith.addi %scan3A_66, %scan3A_67 : i32
      %scan3A_69 = arith.constant 1 : i32
      %scan3A_70 = scf.for %scan3A_81 = %scan3A_66 to %scan3A_68 step %scan3A_69 iter_args(%scan3A_82 = %broadcast_in_dim3A_65) -> (vector<16xf32>)  : i32 {
        %broadcast_in_dim3A_83 = arith.constant 0.000000e+00 : f32
        %broadcast_in_dim3A_84 = vector.broadcast %broadcast_in_dim3A_83 : f32 to vector<16xf32>
        %get3A = arith.index_cast %scan3A_81 : i32 to index
        %get3A_85 = arith.constant 0 : index
        %get3A_86 = tpu.vector_load %arg8[%get3A, %get3A_85] {strides = array<i32>} : memref<200x128xf32, #tpu.memory_space<vmem>>, vector<16xf32>,
        %swap3A = arith.index_cast %scan3A_81 : i32 to index
        %swap3A_87 = arith.constant 0 : index
        %swap3A_88 = tpu.vector_load %arg9[%swap3A, %swap3A_87] {strides = array<i32>} : memref<200x64xf32, #tpu.memory_space<vmem>>, vector<16xf32>,
        tpu.vector_store %arg9[%swap3A, %swap3A_87], %get3A_86 {strides = array<i32>} : memref<200x64xf32, #tpu.memory_space<vmem>>, vector<16xf32>,
        %mul3A_89 = arith.mulf %get3A_86, %get3A_86 : vector<16xf32>
        %add3A_90 = arith.addf %broadcast_in_dim3A_84, %mul3A_89 : vector<16xf32>
        %get3A_91 = arith.index_cast %scan3A_81 : i32 to index
        %get3A_92 = arith.constant 16 : index
        %get3A_93 = tpu.vector_load %arg8[%get3A_91, %get3A_92] {strides = array<i32>} : memref<200x128xf32, #tpu.memory_space<vmem>>, vector<16xf32>,
        %swap3A_94 = arith.index_cast %scan3A_81 : i32 to index
        %swap3A_95 = arith.constant 16 : index
        %swap3A_96 = tpu.vector_load %arg9[%swap3A_94, %swap3A_95] {strides = array<i32>} : memref<200x64xf32, #tpu.memory_space<vmem>>, vector<16xf32>,
        tpu.vector_store %arg9[%swap3A_94, %swap3A_95], %get3A_93 {strides = array<i32>} : memref<200x64xf32, #tpu.memory_space<vmem>>, vector<16xf32>,
        %mul3A_97 = arith.mulf %get3A_93, %get3A_93 : vector<16xf32>
        %add3A_98 = arith.addf %add3A_90, %mul3A_97 : vector<16xf32>
        %get3A_99 = arith.index_cast %scan3A_81 : i32 to index
        %get3A_100 = arith.constant 32 : index
        %get3A_101 = tpu.vector_load %arg8[%get3A_99, %get3A_100] {strides = array<i32>} : memref<200x128xf32, #tpu.memory_space<vmem>>, vector<16xf32>,
        %swap3A_102 = arith.index_cast %scan3A_81 : i32 to index
        %swap3A_103 = arith.constant 32 : index
        %swap3A_104 = tpu.vector_load %arg9[%swap3A_102, %swap3A_103] {strides = array<i32>} : memref<200x64xf32, #tpu.memory_space<vmem>>, vector<16xf32>,
        tpu.vector_store %arg9[%swap3A_102, %swap3A_103], %get3A_101 {strides = array<i32>} : memref<200x64xf32, #tpu.memory_space<vmem>>, vector<16xf32>,
        %mul3A_105 = arith.mulf %get3A_101, %get3A_101 : vector<16xf32>
        %add3A_106 = arith.addf %add3A_98, %mul3A_105 : vector<16xf32>
        %get3A_107 = arith.index_cast %scan3A_81 : i32 to index
        %get3A_108 = arith.constant 48 : index
        %get3A_109 = tpu.vector_load %arg8[%get3A_107, %get3A_108] {strides = array<i32>} : memref<200x128xf32, #tpu.memory_space<vmem>>, vector<16xf32>,
        %swap3A_110 = arith.index_cast %scan3A_81 : i32 to index
        %swap3A_111 = arith.constant 48 : index
        %swap3A_112 = tpu.vector_load %arg9[%swap3A_110, %swap3A_111] {strides = array<i32>} : memref<200x64xf32, #tpu.memory_space<vmem>>, vector<16xf32>,
        tpu.vector_store %arg9[%swap3A_110, %swap3A_111], %get3A_109 {strides = array<i32>} : memref<200x64xf32, #tpu.memory_space<vmem>>, vector<16xf32>,
        %mul3A_113 = arith.mulf %get3A_109, %get3A_109 : vector<16xf32>
        %add3A_114 = arith.addf %add3A_106, %mul3A_113 : vector<16xf32>
        %max3A = arith.maximumf %scan3A_82, %add3A_114 : vector<16xf32>
        scf.yield %max3A : vector<16xf32>
      }
      %scan3A_71 = arith.constant 200 : i32
      %reduce_sum3A_72 = arith.constant true
      %reduce_sum3A_73 = vector.broadcast %reduce_sum3A_72 : i1 to vector<16xi1>
      %reduce_sum3A_74 = tpu.scan <sum>, %scan3A_70 masked %reduce_sum3A_73 : vector<16xf32>, vector<16xi1> -> vector<16xf32>
      %reduce_sum3A_75 = vector.extract %reduce_sum3A_74[15] : f32 from vector<16xf32>
      %gt3A_76 = arith.constant 9.998000e-01 : f32
      %gt3A_77 = arith.cmpf ogt, %reduce_sum3A_75, %gt3A_76 : f32
      %convert_element_type3A_78 = arith.extui %gt3A_77 : i1 to i32
      %cond3A_79 = arith.constant 0 : i32
      %cond3A_80 = arith.cmpi ne, %convert_element_type3A_78, %cond3A_79 : i32
      scf.if %cond3A_80 {
        %scan3A_81 = arith.constant 0 : i32
        %scan3A_82 = arith.constant 0 : i32
        %scan3A_83 = arith.constant 200 : i32
        %scan3A_84 = arith.addi %scan3A_82, %scan3A_83 : i32
        %scan3A_85 = arith.constant 1 : i32
        scf.for %scan3A_87 = %scan3A_82 to %scan3A_84 step %scan3A_85  : i32 {
          %get3A = arith.index_cast %scan3A_87 : i32 to index
          %get3A_88 = arith.constant 0 : index
          %get3A_89 = tpu.vector_load %arg9[%get3A, %get3A_88] {strides = array<i32>} : memref<200x64xf32, #tpu.memory_space<vmem>>, vector<16xf32>,
          %get3A_90 = arith.index_cast %scan3A_87 : i32 to index
          %get3A_91 = arith.constant 16 : index
          %get3A_92 = tpu.vector_load %arg9[%get3A_90, %get3A_91] {strides = array<i32>} : memref<200x64xf32, #tpu.memory_space<vmem>>, vector<16xf32>,
          %get3A_93 = arith.index_cast %scan3A_87 : i32 to index
          %get3A_94 = arith.constant 32 : index
          %get3A_95 = tpu.vector_load %arg9[%get3A_93, %get3A_94] {strides = array<i32>} : memref<200x64xf32, #tpu.memory_space<vmem>>, vector<16xf32>,
          %get3A_96 = arith.index_cast %scan3A_87 : i32 to index
          %get3A_97 = arith.constant 48 : index
          %get3A_98 = tpu.vector_load %arg9[%get3A_96, %get3A_97] {strides = array<i32>} : memref<200x64xf32, #tpu.memory_space<vmem>>, vector<16xf32>,
          %broadcast_in_dim3A_99 = arith.constant 0.000000e+00 : f32
          %broadcast_in_dim3A_100 = vector.broadcast %broadcast_in_dim3A_99 : f32 to vector<16xf32>
          %mul3A_101 = arith.mulf %get3A_89, %get3A_89 : vector<16xf32>
          %add3A_102 = arith.addf %broadcast_in_dim3A_100, %mul3A_101 : vector<16xf32>
          %mul3A_103 = arith.mulf %get3A_92, %get3A_92 : vector<16xf32>
          %add3A_104 = arith.addf %add3A_102, %mul3A_103 : vector<16xf32>
          %mul3A_105 = arith.mulf %get3A_95, %get3A_95 : vector<16xf32>
          %add3A_106 = arith.addf %add3A_104, %mul3A_105 : vector<16xf32>
          %mul3A_107 = arith.mulf %get3A_98, %get3A_98 : vector<16xf32>
          %add3A_108 = arith.addf %add3A_106, %mul3A_107 : vector<16xf32>
          %reduce_sum3A_109 = arith.constant true
          %reduce_sum3A_110 = vector.broadcast %reduce_sum3A_109 : i1 to vector<16xi1>
          %reduce_sum3A_111 = tpu.scan <sum>, %add3A_108 masked %reduce_sum3A_110 : vector<16xf32>, vector<16xi1> -> vector<16xf32>
          %reduce_sum3A_112 = vector.extract %reduce_sum3A_111[15] : f32 from vector<16xf32>
          %broadcast_in_dim3A_113 = vector.broadcast %reduce_sum3A_112 : f32 to vector<16xf32>
          %bitcast_convert_type3A = tpu.bitcast %broadcast_in_dim3A_113 : vector<16xf32> -> vector<16xi32>
          %shift_right_arithmetic3A = arith.constant 1 : i32
          %shift_right_arithmetic3A_114 = vector.broadcast %shift_right_arithmetic3A : i32 to vector<16xi32>
          %shift_right_arithmetic3A_115 = arith.shrsi %bitcast_convert_type3A, %shift_right_arithmetic3A_114 : vector<16xi32>
          %sub3A = arith.constant 1597463007 : i32
          %sub3A_116 = vector.broadcast %sub3A : i32 to vector<16xi32>
          %sub3A_117 = arith.subi %sub3A_116, %shift_right_arithmetic3A_115 : vector<16xi32>
          %bitcast_convert_type3A_118 = tpu.bitcast %sub3A_117 : vector<16xi32> -> vector<16xf32>
          %mul3A_119 = arith.constant 5.000000e-01 : f32
          %mul3A_120 = vector.broadcast %mul3A_119 : f32 to vector<16xf32>
          %mul3A_121 = arith.mulf %mul3A_120, %broadcast_in_dim3A_113 : vector<16xf32>
          %mul3A_122 = arith.mulf %mul3A_121, %bitcast_convert_type3A_118 : vector<16xf32>
          %mul3A_123 = arith.mulf %mul3A_122, %bitcast_convert_type3A_118 : vector<16xf32>
          %sub3A_124 = arith.constant 1.500000e+00 : f32
          %sub3A_125 = vector.broadcast %sub3A_124 : f32 to vector<16xf32>
          %sub3A_126 = arith.subf %sub3A_125, %mul3A_123 : vector<16xf32>
          %mul3A_127 = arith.mulf %bitcast_convert_type3A_118, %sub3A_126 : vector<16xf32>
          %mul3A_128 = arith.constant 5.000000e-01 : f32
          %mul3A_129 = vector.broadcast %mul3A_128 : f32 to vector<16xf32>
          %mul3A_130 = arith.mulf %mul3A_129, %broadcast_in_dim3A_113 : vector<16xf32>
          %mul3A_131 = arith.mulf %mul3A_130, %mul3A_127 : vector<16xf32>
          %mul3A_132 = arith.mulf %mul3A_131, %mul3A_127 : vector<16xf32>
          %sub3A_133 = arith.constant 1.500000e+00 : f32
          %sub3A_134 = vector.broadcast %sub3A_133 : f32 to vector<16xf32>
          %sub3A_135 = arith.subf %sub3A_134, %mul3A_132 : vector<16xf32>
          %mul3A_136 = arith.mulf %mul3A_127, %sub3A_135 : vector<16xf32>
          %mul3A_137 = arith.constant 5.000000e-01 : f32
          %mul3A_138 = vector.broadcast %mul3A_137 : f32 to vector<16xf32>
          %mul3A_139 = arith.mulf %mul3A_138, %broadcast_in_dim3A_113 : vector<16xf32>
          %mul3A_140 = arith.mulf %mul3A_139, %mul3A_136 : vector<16xf32>
          %mul3A_141 = arith.mulf %mul3A_140, %mul3A_136 : vector<16xf32>
          %sub3A_142 = arith.constant 1.500000e+00 : f32
          %sub3A_143 = vector.broadcast %sub3A_142 : f32 to vector<16xf32>
          %sub3A_144 = arith.subf %sub3A_143, %mul3A_141 : vector<16xf32>
          %mul3A_145 = arith.mulf %mul3A_136, %sub3A_144 : vector<16xf32>
          %mul3A_146 = arith.mulf %broadcast_in_dim3A_113, %mul3A_145 : vector<16xf32>
          %gt3A_147 = arith.constant 9.998000e-01 : f32
          %gt3A_148 = vector.broadcast %gt3A_147 : f32 to vector<16xf32>
          %gt3A_149 = arith.cmpf ogt, %broadcast_in_dim3A_113, %gt3A_148 : vector<16xf32>
          %add3A_150 = arith.constant 1.000000e-07 : f32
          %add3A_151 = vector.broadcast %add3A_150 : f32 to vector<16xf32>
          %add3A_152 = arith.addf %mul3A_146, %add3A_151 : vector<16xf32>
          %div3A = arith.constant 0.999899983 : f32
          %div3A_153 = vector.broadcast %div3A : f32 to vector<16xf32>
          %div3A_154 = arith.divf %div3A_153, %add3A_152 : vector<16xf32>
          %jit3A = arith.constant 1.000000e+00 : f32
          %broadcast_in_dim3A_155 = vector.broadcast %jit3A : f32 to vector<16xf32>
          %select_n3A = arith.select %gt3A_149, %div3A_154, %broadcast_in_dim3A_155 : vector<16xi1>, vector<16xf32>
          %mul3A_156 = arith.mulf %get3A_89, %select_n3A : vector<16xf32>
          %swap3A = arith.index_cast %scan3A_87 : i32 to index
          %swap3A_157 = arith.constant 0 : index
          %swap3A_158 = tpu.vector_load %arg9[%swap3A, %swap3A_157] {strides = array<i32>} : memref<200x64xf32, #tpu.memory_space<vmem>>, vector<16xf32>,
          tpu.vector_store %arg9[%swap3A, %swap3A_157], %mul3A_156 {strides = array<i32>} : memref<200x64xf32, #tpu.memory_space<vmem>>, vector<16xf32>,
          %mul3A_159 = arith.mulf %get3A_92, %select_n3A : vector<16xf32>
          %swap3A_160 = arith.index_cast %scan3A_87 : i32 to index
          %swap3A_161 = arith.constant 16 : index
          %swap3A_162 = tpu.vector_load %arg9[%swap3A_160, %swap3A_161] {strides = array<i32>} : memref<200x64xf32, #tpu.memory_space<vmem>>, vector<16xf32>,
          tpu.vector_store %arg9[%swap3A_160, %swap3A_161], %mul3A_159 {strides = array<i32>} : memref<200x64xf32, #tpu.memory_space<vmem>>, vector<16xf32>,
          %mul3A_163 = arith.mulf %get3A_95, %select_n3A : vector<16xf32>
          %swap3A_164 = arith.index_cast %scan3A_87 : i32 to index
          %swap3A_165 = arith.constant 32 : index
          %swap3A_166 = tpu.vector_load %arg9[%swap3A_164, %swap3A_165] {strides = array<i32>} : memref<200x64xf32, #tpu.memory_space<vmem>>, vector<16xf32>,
          tpu.vector_store %arg9[%swap3A_164, %swap3A_165], %mul3A_163 {strides = array<i32>} : memref<200x64xf32, #tpu.memory_space<vmem>>, vector<16xf32>,
          %mul3A_167 = arith.mulf %get3A_98, %select_n3A : vector<16xf32>
          %swap3A_168 = arith.index_cast %scan3A_87 : i32 to index
          %swap3A_169 = arith.constant 48 : index
          %swap3A_170 = tpu.vector_load %arg9[%swap3A_168, %swap3A_169] {strides = array<i32>} : memref<200x64xf32, #tpu.memory_space<vmem>>, vector<16xf32>,
          tpu.vector_store %arg9[%swap3A_168, %swap3A_169], %mul3A_167 {strides = array<i32>} : memref<200x64xf32, #tpu.memory_space<vmem>>, vector<16xf32>,
        }
        %scan3A_86 = arith.constant 200 : i32
      } else {
      }
      "tpu.region"() ({
        %run_scoped3A = tpu.sem_alloc : memref<!tpu.dma_semaphore, #tpu.memory_space<semaphore_mem>>
        %dma_start3A_81 = arith.constant 0 : i32
        %dma_start3A_82 = tpu.memref_slice %arg4[%add3A_50, %dma_start3A_81] : memref<204800x64xf32, #tpu.memory_space<hbm>> -> memref<200x64xf32, #tpu.memory_space<hbm>>
        %dma_start3A_83 = arith.constant 0 : i32
        %dma_start3A_84 = tpu.memref_slice %arg4[%add3A_50, %dma_start3A_83] : memref<204800x64xf32, #tpu.memory_space<hbm>> -> memref<200x64xf32, #tpu.memory_space<hbm>>
        tpu.enqueue_dma source(%arg9 : memref<200x64xf32, #tpu.memory_space<vmem>>) target(%dma_start3A_84 : memref<200x64xf32, #tpu.memory_space<hbm>>) target_semaphore(%run_scoped3A : memref<!tpu.dma_semaphore, #tpu.memory_space<semaphore_mem>>)
        %dma_wait3A_85 = arith.constant 0 : i32
        %dma_wait3A_86 = tpu.memref_slice %arg4[%add3A_50, %dma_wait3A_85] : memref<204800x64xf32, #tpu.memory_space<hbm>> -> memref<200x64xf32, #tpu.memory_space<hbm>>
        %dma_wait3A_87 = arith.constant 0 : i32
        %dma_wait3A_88 = tpu.memref_slice %arg4[%add3A_50, %dma_wait3A_87] : memref<204800x64xf32, #tpu.memory_space<hbm>> -> memref<200x64xf32, #tpu.memory_space<hbm>>
        tpu.wait_dma2 semaphore(%run_scoped3A : memref<!tpu.dma_semaphore, #tpu.memory_space<semaphore_mem>>) src(%arg9 : memref<200x64xf32, #tpu.memory_space<vmem>>) dst(%dma_wait3A_88 : memref<200x64xf32, #tpu.memory_space<hbm>>)
        tpu.yield
      }) : () -> ()
    }
    %scan3A_10 = arith.constant 16 : i32
    return
  }
}

</mosaic_0001>

<sc_bundles>
// kernel: _sc_embed.3.cloned.1.call-start
scs
__scs_entry_jumppad:
0x0: {  	(pc) =	sbr.rel $0x88, $3  }
0x1: {  	(tag) =	ssettag $0x0;
	lr =	simm.s32 $0x1  }
0x2: {  	[smem:$0x3F9F] =	sst lr;
	_ =	strace $0xD0000000  }
0x3: {  	_ = 	snop  }
0x4: {  	_ = 	snop  }
0x5: {  	_ = 	snop  }
0x6: {  	_ = 	snop  }
0x7: {  	_ = 	snop  }
__scs_overlays_trampoline_lowered:
0x8: {  	[smem:$0x3FAE] =	sst s0  }
0x9: {  	[smem:$0x3FAF] =	sst s1  }
0xa: {  	[smem:$0x3FB0] =	sst s2  }
0xb: {  	[smem:$0x3FB1] =	sst s3  }
0xc: {  	[smem:$0x3FB2] =	sst s4  }
0xd: {  	[smem:$0x3FB3] =	sst s5  }
0xe: {  	[smem:$0x3FB4] =	sst s6  }
0xf: {  	[smem:$0x3FB5] =	sst s7  }
0x10: {  	[smem:$0x3FB6] =	sst s8  }
0x11: {  	[smem:$0x3FB7] =	sst s9;
	s0 =	simm.s32 @!p0 $0x0  }
0x12: {  	s1 =	sld [smem:$0x3F9D];
	s0 =	simm.s32 @p0 $0x1  }
0x13: {  	[smem:$0x3FB8] =	sst s0;
	s0 =	simm.s32 @!p1 $0x0  }
0x14: {  	s2 =	sld [smem:$0x3F9C];
	s0 =	simm.s32 @p1 $0x1  }
0x15: {  	[smem:$0x3FB9] =	sst s0;
	s0 =	simm.s32 @!p2 $0x0  }
0x16: {  	s3 =	sld [smem:$0x3FDB];
	s0 =	simm.s32 @p2 $0x1  }
0x17: {  	s4 =	simm.s32 $0x1BF5;
	[smem:$0x3FBB] =	sst s0  }
0x18: {  	s0 =	sld [smem:$0x3F9E];
	_ =	swait.ge [sflag:s4], $0x0  }
0x19: {  	s7 =	sld [smem:$0x3F9F]  }
0x1a: {  	s8 =	sadd.s32 $0xFFFFE003, lr  }
0x1b: {  	s9 =	sadd.s32 $0xFFFFFEF7, lr;
	s5 =	simm.s32 $0xFFFFFFFF;
	p2 =	slt.u32 s8, $0xFFFFF086  }
0x1c: {  	p1 =	slt.u32 s9, $0xF7A;
	s5 =	simm.s32 @!p2 $0x0  }
0x1d: {  	s5 =	simm.s32 @p1 $0x1;
	p0 =	seq.s32 s7, s2  }
0x1e: {  	s7 =	smul.u32 @!p0 $0xF7A, s2;
	p2 =	seq.s32 @!p0 s5, $0x0  }
0x1f: {  	s9 =	smul.u32 $0xF7A, s1;
	s8 =	simm.s32 @!p0 $0x1BF5;
	p2 =	por !p2, p0  }
0x20: {  	[sflag:s8] =	ssyncset.s32 @!p0 $0xFFFFF086;
	s6 =	sadd.s32 @!p0 s3, s7;
	s7 =	simm.s32 @!p0 $0x108  }
0x21: {  	s3 =	sadd.s32 s3, s9;
	s6 =	sadd.s32 @!p0 $0x88, s6;
	s7 =	simm.s32 @p2 $0x1082  }
0x22: {  	[simem:s7], [sflag:s8] =	dma.local @!p0 [hbm:s6], $0xF7A  }
0x23: {  	s9 =	sor.u32 $0xD0000000, s2;
	s6 =	simm.s32 $0x108;
	_ =	swait.ge @!p0 [sflag:s8], $0x0  }
0x24: {  	s3 =	sadd.s32 $0x88, s3;
	s6 =	simm.s32 @!p1 $0x1082;
	[sflag:s4] =	ssyncset.s32 $0xFFFFF086  }
0x25: {  	[simem:s6], [sflag:s4] =	dma.local [hbm:s3], $0xF7A  }
0x26: {  	[smem:$0x3F9F] =	sst s1;
	(tag) =	ssettag s2;
	_ =	strace s9  }
0x27: {  	s1 =	sld [smem:$0x3FAF]  }
0x28: {  	s2 =	sld [smem:$0x3FB0]  }
0x29: {  	s4 =	sld [smem:$0x3FB2]  }
0x2a: {  	p0 =	seq.s32 s5, $0x0;
	s5 =	sld [smem:$0x3FB3]  }
0x2b: {  	s6 =	sld [smem:$0x3FB4]  }
0x2c: {  	s7 =	sld [smem:$0x3FB5]  }
0x2d: {  	s3 =	simm.s32 $0x108;
	s8 =	sld [smem:$0x3FB6]  }
0x2e: {  	s3 =	simm.s32 @!p0 $0x1082;
	s9 =	sld [smem:$0x3FB7]  }
0x2f: {  	lr =	sadd.s32 s0, s3;
	s0 =	sld [smem:$0x3FAE]  }
0x30: {  	s3 =	sld [smem:$0x3FB1]  }
0x31: {  	[smem:$0x3FBA] =	sst s10  }
0x32: {  	s10 =	sld [smem:$0x3FB8];
	_ =	sdelay $0x3  }
0x33: {  	p0 =	seq.s32 s10, $0x1;
	s10 =	sld [smem:$0x3FBA];
	_ =	sdelay $0x3  }
0x34: {  	[smem:$0x3FBA] =	sst s10  }
0x35: {  	s10 =	sld [smem:$0x3FB9];
	_ =	sdelay $0x3  }
0x36: {  	p1 =	seq.s32 s10, $0x1;
	s10 =	sld [smem:$0x3FBA];
	_ =	sdelay $0x3  }
0x37: {  	[smem:$0x3FBA] =	sst s10  }
0x38: {  	s10 =	sld [smem:$0x3FBB]  }
0x39: {  	_ = 	snop;
	(pc) =	sbr.ind lr, $3  }
0x3a: {  	_ = 	snop  }
0x3b: {  	_ = 	snop  }
0x3c: {  	p2 =	seq.s32 s10, $0x1;
	s10 =	sld [smem:$0x3FBA]  }
0x3d: {  	_ =	shalt  }
0x3e: {  	_ =	shalt  }
0x3f: {  	_ =	shalt  }
0x40: {  	_ =	shalt  }
0x41: {  	_ =	shalt  }
0x42: {  	_ =	shalt  }
0x43: {  	_ =	shalt  }
0x44: {  	_ =	shalt  }
0x45: {  	_ =	shalt  }
0x46: {  	_ =	shalt  }
0x47: {  	_ =	shalt  }
0x48: {  	_ =	shalt  }
0x49: {  	_ =	shalt  }
0x4a: {  	_ =	shalt  }
0x4b: {  	_ =	shalt  }
0x4c: {  	_ =	shalt  }
0x4d: {  	_ =	shalt  }
0x4e: {  	_ =	shalt  }
0x4f: {  	_ =	shalt  }
0x50: {  	_ =	shalt  }
0x51: {  	_ =	shalt  }
0x52: {  	_ =	shalt  }
0x53: {  	_ =	shalt  }
0x54: {  	_ =	shalt  }
0x55: {  	_ =	shalt  }
0x56: {  	_ =	shalt  }
0x57: {  	_ =	shalt  }
0x58: {  	_ =	shalt  }
0x59: {  	_ =	shalt  }
0x5a: {  	_ =	shalt  }
0x5b: {  	_ =	shalt  }
0x5c: {  	_ =	shalt  }
0x5d: {  	_ =	shalt  }
0x5e: {  	_ =	shalt  }
0x5f: {  	_ =	shalt  }
0x60: {  	_ =	shalt  }
0x61: {  	_ =	shalt  }
0x62: {  	_ =	shalt  }
0x63: {  	_ =	shalt  }
0x64: {  	_ =	shalt  }
0x65: {  	_ =	shalt  }
0x66: {  	_ =	shalt  }
0x67: {  	_ =	shalt  }
0x68: {  	_ =	shalt  }
0x69: {  	_ =	shalt  }
0x6a: {  	_ =	shalt  }
0x6b: {  	_ =	shalt  }
0x6c: {  	_ =	shalt  }
0x6d: {  	_ =	shalt  }
0x6e: {  	_ =	shalt  }
0x6f: {  	_ =	shalt  }
0x70: {  	_ =	shalt  }
0x71: {  	_ =	shalt  }
0x72: {  	_ =	shalt  }
0x73: {  	_ =	shalt  }
0x74: {  	_ =	shalt  }
0x75: {  	_ =	shalt  }
0x76: {  	_ =	shalt  }
0x77: {  	_ =	shalt  }
0x78: {  	_ =	shalt  }
0x79: {  	_ =	shalt  }
0x7a: {  	_ =	shalt  }
0x7b: {  	_ =	shalt  }
0x7c: {  	_ =	shalt  }
0x7d: {  	_ =	shalt  }
0x7e: {  	_ =	shalt  }
0x7f: {  	_ =	shalt  }
0x80: {  	_ =	shalt  }
0x81: {  	_ =	shalt  }
0x82: {  	_ =	shalt  }
0x83: {  	_ =	shalt  }
0x84: {  	_ =	shalt  }
0x85: {  	_ =	shalt  }
0x86: {  	_ =	shalt  }
0x87: {  	_ =	shalt  }
.Lfunc_end0:
.L_simem_size_0:
called_computation_lowered:
.L_overlay_start_0:
0x88: {  	s2 =	sld [smem:$0x3FD9]  }
0x89: {  	s3 =	sld [smem:$0x3FFE];
	_ =	sdelay $0x1  }
0x8a: {  	s1 =	srdreg.scid  }
0x8b: {  	s0 =	sand.u32 $0x1, s1  }
0x8c: {  	s17 =	sshll.u32 s0, $0xA;
	s2 =	sadd.s32 s3, s2  }
0x8d: {  	s2 =	sadd.s32 s2, s17  }
0x8e: {  	[smem:$0x3FC6] =	sst s2  }
0x8f: {  	_ = 	snop  }
0x90: {  	s2 =	sld [smem:$0x3FC9]  }
0x91: {  	s18 =	sld [smem:$0x3FC8];
	(tm) =	ssettm $0x1  }
0x92: {  	s4 =	sld [smem:$0x3FFB];
	_ =	sdelay $0x3  }
0x93: {  	_ =	strace s4  }
0x94: {  	s4 =	sld [smem:$0x3FFC];
	_ =	sdelay $0x3  }
0x95: {  	_ =	strace s4  }
0x96: {  	s4 =	sld [smem:$0x3FFD];
	_ =	sdelay $0x3  }
0x97: {  	_ =	strace s4  }
0x98: {  	_ =	strace $0x8FFFFFFF  }
0x99: {  	s19 =	sld [smem:$0x3FDB];
	_ =	sdelay $0x1  }
0x9a: {  	s5 =	simm.s32 $_scs_section_size  }
0x9b: {  	s6 =	simm.s32 $_size__tile_overlayer_lowered;
	s7 =	simm.s32 $_tile_overlayer_lowered  }
0x9c: {  	s22 =	simm.s32 $0x1BFF;
	s21 =	sshll.u32 s7, $0x1;
	s4 =	sadd.s32 s5, s19  }
0x9d: {  	s8 =	simm.s32 $0x0;
	s20 =	sshll.u32 s6, $0x1;
	s6 =	sadd.s32 s21, s4  }
0x9e: {  	[timem:s8], [sflag:s22] =	dma.local [hbm:s6], s20  }
0x9f: {  	_ =	swait.ge [sflag:s22], s20  }
0xa0: {  	s5 =	ssub.s32 $0x0, s20;
	[sflag:s22] =	ssyncset.done $0x0  }
0xa1: {  	[sflag:s22] =	ssyncadd.s32 s5;
	_ =	sdelay $0x1  }
0xa2: {  	s23 =	simm.s32 $0x1B8B  }
0xa3: {  	_ =	swait.ge [sflag:s23], $0x1  }
0xa4: {  	[sflag:s23] =	ssyncset.done $0x0  }
0xa5: {  	s25 =	simm.s32 $0x1B8E;
	s24 =	sld [smem:$0x3FFE];
	[sflag:s23] =	ssyncadd.s32 $0xFFFFFFFF  }
0xa6: {  	s26 =	simm.s32 $execute0_lowered;
	[smem:$0x3FD2] =	sst s25  }
0xa7: {  	s6 =	sshll.u32 s26, $0x1;
	_ =	strace $0x80000046;
	[dreg:$0x1] =	wrdreg $0xFFFFFFFF  }
0xa8: {  	s28 =	simm.s32 $_size_execute0_lowered;
	s4 =	sadd.s32 s4, s6;
	[dreg:$0x0] =	wrdreg $0x0  }
0xa9: {  	s6 =	sshll.u32 s28, $0x1;
	[dreg:$0x2] =	wrdreg s4  }
0xaa: {  	[dreg:$0x3] =	wrdreg s6  }
0xab: {  	[dreg:$0x4] =	wrdreg $0xC0  }
0xac: {  	_ =	task [dreg:s8], $0x5FFFF  }
0xad: {  	[dreg:$0x1] =	wrdreg $0xFFFFFFFF  }
0xae: {  	[dreg:$0x0] =	wrdreg $0x60  }
0xaf: {  	[dreg:$0x2] =	wrdreg s2  }
0xb0: {  	[dreg:$0x3] =	wrdreg s18  }
0xb1: {  	[dreg:$0x4] =	wrdreg s24  }
0xb2: {  	[dreg:$0x5] =	wrdreg $0x9  }
0xb3: {  	_ =	task.clear_ibuf [dreg:s8], $0x6FFFF;
	_ =	strace $0x90000046  }
0xb4: {  	s29 =	simm.s32 $0x9;
	_ =	strace $0x80000048  }
0xb5: {  	_ =	swait.ge [sflag:s29], $0x1  }
0xb6: {  	[sflag:s29] =	ssyncadd.s32 $0xFFFFFFFF  }
0xb7: {  	_ =	strace $0x90000048  }
0xb8: {  	_ =	sfence  }
0xb9: {  	s30 =	sld [smem:$0x0];
	_ =	sdelay $0x2  }
0xba: {  	s31 =	sshll.u32 s1, $0xD;
	s1 =	sshrl.u32 s1, $0x2  }
0xbb: {  	s3 =	sand.u32 $0x4000, s31;
	s1 =	sadd.s32 s1, s30  }
0xbc: {  	s0 =	sor.u32 s3, s0;
	s1 =	sshll.u32 s1, $0x11  }
0xbd: {  	s0 =	sor.u32 s1, s0  }
0xbe: {  	s0 =	sadd.s32 $0x8F2B, s0  }
0xbf: {  	[sflag:s0] =	ssyncadd.remote.s32 $0x1  }
0xc0: {  	_ =	sfence.sel $0xFFFF  }
0xc1: {  	[dreg:$0x0] =	wrdreg $0xFFFFFFFF;
	(pc) =	sbr.abs _section_cstart, $3  }
0xc2: {  	[dreg:$0x1] =	wrdreg $0xFFFFFFFF  }
0xc3: {  	_ =	task.clear_ibuf [dreg:s8], $0x2FFFF;
	_ =	strace $0x9FFFFFFF  }
0xc4: {  	(tm) =	ssettm $0x7FFFFFFF  }
0xc5: {  	_ =	shalt  }
tec
execute0_lowered:
.L_overlay_start_1:
0x0: {  	(tag) =	ssettag $0x1  }
0x1: {  	s1 =	rddreg [dreg:$0x0]  }
0x2: {  	s2 =	srdreg.scid;
	s3 =	rddreg [dreg:$0x1]  }
0x3: {  	s0 =	stileid.u32;
	s7 =	rddreg [dreg:$0x2]  }
0x4: {  	s4 =	simm.s32 $0x0;
	s12 =	simm.s32 $0xC8;
	s13 =	simm.s32 $0x200  }
0x5: {  	s14 =	simm.s32 $0x1;
	s15 =	simm.s32 $0x100;
	s16 =	simm.s32 $0x6600  }
0x6: {  	s17 =	simm.s32 $0xCA00;
	s18 =	simm.s32 $0x2;
	s19 =	simm.s32 $0x0  }
0x7: {  	s6 =	sand.u32 $0x1, s2;
	s31 =	sshll.u32 s0, $0x1;
	s2 =	rddreg [dreg:$0x3]  }
.Ltmp0:
0x8: {  	s5 =	sor.u32 s6, s31;
	s8 =	ssub.s32 $0x2, s6;
	(pc) =	sbr.rel .LBB2_1-.Ltmp0, $4  }
0x9: {  	[smem:$0x7FF] =	sst s4;
	s5 =	smul.u32 $0x1900, s5;
	s9 =	sshrl.u32 s8, $0x1  }
0xa: {  	_ =	strace $0x80000047;
	s6 =	sadd.s32 $0x400, s7;
	s11 =	ssub.s32 s8, s9  }
0xb: {  	s10 =	sshrl.u32 s5, $0x3;
	s8 =	sor.u32 $0xC8, s5;
	s9 =	sadd.s32 $0x190, s5  }
0xc: {  	s7 =	sadd.s32 s1, s10;
	s10 =	smax.u32 s11, $0x1;
	s11 =	simm.s32 $0x3  }
.LBB2_15:
0xd: {  	s19 =	sadd.s32 $0x1, s19  }
0xe: {  	p0 =	sne.s32 s19, s10  }
.Ltmp1:
0xf: {  	_ = 	snop;
	(pc) =	sbr.rel @!p0 .LBB2_16-.Ltmp1, $1  }
0x10: {  	_ =	sdelay $0x3  }
.LBB2_1:
0x11: {  	[tilespmem:s4], [sflag:$0x3] =	stream.linear.gather [hbm4b:s7+s4], $0xC8, $0x38;
	[tilespmem:$0x12E00] =	vst v63  }
.Ltmp2:
0x12: {  	_ = 	snop;
	(pc) =	sbr.rel .LBB2_2-.Ltmp2, $4  }
0x13: {  	_ =	swait.ge [sflag:s11], $0xC8  }
0x14: {  	[sflag:s11] =	ssyncset.done $0x0  }
0x15: {  	s20 =	simm.s32 $0x0;
	[sflag:s11] =	ssyncadd.s32 $0xFFFFFF38  }
0x16: {  	[tilespmem:s13], [sflag:$0x1] =	stream.indirect.gather [hbm4b:s3+s12], $0x80, s4, s12, $0xb8;
	[tilespmem:$0x12E00] =	vst v63  }
.LBB2_14:
0x17: {  	s20 =	sadd.s32 $0x1, s20  }
0x18: {  	s21 =	sshll.u32 s21, $0x4;
	p0 =	sne.s32 s20, $0x10  }
.Ltmp3:
0x19: {  	s21 =	sadd.s32 s6, s21;
	(pc) =	sbr.rel @!p0 .LBB2_15-.Ltmp3, $4  }
0x1a: {  	[hbm4b:s21+s4] =	stream.linear.scatter [tilespmem:s17], [sflag:$0x3], $0x6400, $0x38;
	[tilespmem:$0x12E00] =	vst v63  }
0x1b: {  	_ =	swait.ge [sflag:s11], $0x6400  }
0x1c: {  	[sflag:s11] =	ssyncset.done $0x0  }
0x1d: {  	[sflag:s11] =	ssyncadd.s32 $0xFFFF9C00  }
.LBB2_2:
0x1e: {  	s22 =	smul.u32 $0x190, s20;
	_ =	sdelay $0x1  }
0x1f: {  	_ =	swait.ge [sflag:s14], $0x6400;
	s21 =	sadd.s32 s22, s8  }
0x20: {  	[sflag:s14] =	ssyncset.done $0x0;
	s23 =	sshrl.u32 s21, $0x3  }
0x21: {  	s24 =	simm.s32 $0x0;
	[sflag:s14] =	ssyncadd.s32 $0xFFFF9C00;
	s23 =	sadd.s32 s1, s23  }
0x22: {  	[tilespmem:s15], [sflag:$0x3] =	stream.linear.gather [hbm4b:s23+s24], $0xC8, $0x38;
	[tilespmem:$0x12E00] =	vst v63  }
0x23: {  	_ =	swait.ge [sflag:s11], $0xC8  }
0x24: {  	[sflag:s11] =	ssyncset.done $0x0  }
0x25: {  	s25 =	simm.s32 $0x0;
	[sflag:s11] =	ssyncadd.s32 $0xFFFFFF38  }
0x26: {  	[tilespmem:s16], [sflag:$0x2] =	stream.indirect.gather [hbm4b:s3+s12], $0x80, s15, s12, $0xb8;
	[tilespmem:$0x12E00] =	vst v63  }
0x27: {  	v0 =	vld [tilespmem:s25+$0x200]  }
0x28: {  	v1 =	vld [tilespmem:s25+$0x210];
	_ =	sdelay $0x1  }
0x29: {  	v3 =	vld [tilespmem:s25+$0x220];
	_ =	sdelay $0x1  }
0x2a: {  	s23 =	simm.s32 $0x80;
	v5 =	vld [tilespmem:s25+$0x230];
	[tilespmem:s25+$0xCA00] =	vst v0  }
0x2b: {  	v4 =	vmul.f32 v0, v0;
	v2 =	vld [tilespmem:s23+$0x200];
	[tilespmem:s25+$0xCA10] =	vst v1;
	v1 =	vmul.f32 v1, v1  }
0x2c: {  	v0 =	vld [tilespmem:s23+$0x210]  }
0x2d: {  	v6 =	vmul.f32 v3, v3;
	[tilespmem:s25+$0xCA20] =	vst v3;
	v4 =	vadd.f32 v1, v4  }
0x2e: {  	v1 =	vld [tilespmem:s23+$0x220]  }
0x2f: {  	s24 =	simm.s32 $0x400;
	v3 =	vimm.f32 $0.0e+00;
	[tilespmem:s25+$0xCA30] =	vst v5;
	v5 =	vmul.f32 v5, v5;
	v4 =	vadd.f32 v6, v4  }
.LBB2_3:
0x30: {  	s25 =	sshra.s32 s24, $0x2;
	[tilespmem:s23+$0xCA00] =	vst v2;
	v6 =	vld [tilespmem:s23+$0x230];
	p0 =	sne.s32 s24, $0x18E00  }
.Ltmp4:
0x31: {  	s24 =	sadd.s32 $0x200, s24;
	v7 =	vmul.f32 v2, v2;
	v2 =	vld [tilespmem:s25+$0x200];
	[tilespmem:s23+$0xCA10] =	vst v0;
	v8 =	vmul.f32 v0, v0;
	v4 =	vadd.f32 v5, v4;
	(pc) =	sbr.rel @p0 .LBB2_3-.Ltmp4, $4  }
0x32: {  	v0 =	vld [tilespmem:s25+$0x210]  }
0x33: {  	v5 =	vadd.f32 v8, v7;
	[tilespmem:s23+$0xCA20] =	vst v1;
	v7 =	vmul.f32 v1, v1;
	v3 =	vmax.f32 v3, v4  }
0x34: {  	v1 =	vld [tilespmem:s25+$0x220]  }
0x35: {  	v4 =	vadd.f32 v7, v5;
	[tilespmem:s23+$0xCA30] =	vst v6;
	v5 =	vmul.f32 v6, v6;
	s23 =	smov.u32 s25  }
0x36: {  	v6 =	vld [tilespmem:s23+$0x230]  }
0x37: {  	v61 =	vmul.f32 v2, v2;
	v7 =	vmul.f32 v0, v0;
	_ =	sdelay $0x1  }
0x38: {  	[tilespmem:s23+$0xCA00] =	vst v2;
	v2 =	vadd.f32 v7, v61;
	v62 =	vmul.f32 v1, v1;
	_ =	sdelay $0x1  }
0x39: {  	v2 =	vadd.f32 v62, v2;
	v63 =	vmul.f32 v6, v6  }
0x3a: {  	v4 =	vadd.f32 v5, v4  }
0x3b: {  	v2 =	vadd.f32 v63, v2  }
0x3c: {  	v3 =	vmax.f32 v3, v4  }
0x3d: {  	v2 =	vmax.f32 v3, v2  }
0x3e: {  	(xrf2) =	vadd.scan.msk.f32 $0xffff, v2;
	_ =	sdelay $0x9  }
0x3f: {  	v2, _, _ =	vpop (xrf2)  }
0x40: {  	(v2sf) =	vpush v2, $0xF;
	_ =	sdelay $0xe  }
0x41: {  	s24 =	spop (v2sf)  }
0x42: {  	p0 =	sgt.f32 s24, $9.998000260e-01  }
.Ltmp5:
0x43: {  	_ = 	snop;
	(pc) =	sbr.rel @!p0 .LBB2_8-.Ltmp5, $4  }
0x44: {  	_ = 	snop  }
0x45: {  	[tilespmem:s23+$0xCA10] =	vst v0  }
0x46: {  	[tilespmem:s23+$0xCA20] =	vst v1  }
0x47: {  	[tilespmem:s23+$0xCA30] =	vst v6  }
0x48: {  	s23 =	simm.s32 $0x0  }
0x49: {  	v0 =	vld [tilespmem:s23+$0xCA10]  }
0x4a: {  	v1 =	vld [tilespmem:s23+$0xCA00];
	_ =	sdelay $0x1  }
0x4b: {  	v2 =	vld [tilespmem:s23+$0xCA20];
	_ =	sdelay $0x1  }
0x4c: {  	v3 =	vld [tilespmem:s23+$0xCA30]  }
0x4d: {  	v4 =	vmul.f32 v1, v1;
	v5 =	vmul.f32 v0, v0;
	_ =	sdelay $0x1  }
0x4e: {  	v61 =	vmul.f32 v2, v2;
	v4 =	vadd.f32 v5, v4;
	_ =	sdelay $0x1  }
0x4f: {  	v62 =	vmul.f32 v3, v3;
	v4 =	vadd.f32 v61, v4;
	_ =	sdelay $0x1  }
0x50: {  	v4 =	vadd.f32 v62, v4;
	_ =	sdelay $0x1  }
0x51: {  	(xrf2) =	vadd.scan.msk.f32 $0xffff, v4;
	_ =	sdelay $0x9  }
0x52: {  	v4, _, _ =	vpop (xrf2)  }
0x53: {  	v4 =	vbroadcast v4, $0xF;
	_ =	sdelay $0x1  }
0x54: {  	v63 =	vshra.s32 v4, $0x1;
	v6 =	vmul.f32 $5.000000000e-01, v4  }
0x55: {  	v5 =	vsub.s32 $0x5F3759DF, v63  }
0x56: {  	v7 =	vmul.f32 v5, v6;
	_ =	sdelay $0x1  }
0x57: {  	v7 =	vmul.f32 v5, v7;
	_ =	sdelay $0x1  }
0x58: {  	v7 =	vsub.f32 $1.500000000e+00, v7;
	_ =	sdelay $0x1  }
0x59: {  	v5 =	vmul.f32 v5, v7;
	_ =	sdelay $0x1  }
0x5a: {  	v7 =	vmul.f32 v5, v6;
	_ =	sdelay $0x1  }
0x5b: {  	v7 =	vmul.f32 v7, v5;
	_ =	sdelay $0x1  }
0x5c: {  	v7 =	vsub.f32 $1.500000000e+00, v7;
	_ =	sdelay $0x1  }
0x5d: {  	v5 =	vmul.f32 v7, v5;
	_ =	sdelay $0x1  }
0x5e: {  	v6 =	vmul.f32 v5, v6;
	_ =	sdelay $0x1  }
0x5f: {  	v6 =	vmul.f32 v6, v5;
	_ =	sdelay $0x1  }
0x60: {  	v6 =	vsub.f32 $1.500000000e+00, v6;
	_ =	sdelay $0x1  }
0x61: {  	v5 =	vmul.f32 v6, v5;
	_ =	sdelay $0x1  }
0x62: {  	v5 =	vmul.f32 v5, v4;
	_ =	sdelay $0x1  }
0x63: {  	v5 =	vadd.f32 $1.000000010e-07, v5;
	_ =	sdelay $0x1  }
0x64: {  	(erf) = vrcp.f32 v5;
	_ =	sdelay $0x8  }
0x65: {  	v5 =	vpop (erf)  }
0x66: {  	v5 =	vmul.f32 $9.998999830e-01, v5  }
0x67: {  	vm0 =	vgt.f32 v4, $9.998000260e-01  }
0x68: {  	v4 =	vnsel vm0, $0x3F800000, v5  }
0x69: {  	v1 =	vmul.f32 v4, v1  }
0x6a: {  	v0 =	vmul.f32 v4, v0  }
0x6b: {  	v2 =	vmul.f32 v4, v2;
	[tilespmem:s23+$0xCA00] =	vst v1  }
0x6c: {  	s25 =	simm.s32 $0x80;
	[tilespmem:s23+$0xCA10] =	vst v0;
	v1 =	vmul.f32 v4, v3  }
0x6d: {  	s24 =	simm.s32 $0x400;
	v0 =	vld [tilespmem:s25+$0xCA10];
	[tilespmem:s23+$0xCA20] =	vst v2  }
.LBB2_6:
0x6e: {  	p0 =	sne.s32 s24, $0x18E00;
	v2 =	vld [tilespmem:s25+$0xCA00];
	[tilespmem:s23+$0xCA30] =	vst v1;
	s23 =	smov.u32 s25;
	_ =	sdelay $0x1  }
0x6f: {  	v1 =	vld [tilespmem:s23+$0xCA20];
	_ =	sdelay $0x1  }
0x70: {  	v3 =	vld [tilespmem:s23+$0xCA30]  }
0x71: {  	v5 =	vmul.f32 v0, v0;
	v4 =	vmul.f32 v2, v2;
	_ =	sdelay $0x1  }
0x72: {  	v4 =	vadd.f32 v5, v4;
	v5 =	vmul.f32 v1, v1;
	_ =	sdelay $0x1  }
0x73: {  	v4 =	vadd.f32 v5, v4;
	v5 =	vmul.f32 v3, v3;
	_ =	sdelay $0x1  }
0x74: {  	v4 =	vadd.f32 v5, v4;
	_ =	sdelay $0x1  }
0x75: {  	(xrf2) =	vadd.scan.msk.f32 $0xffff, v4;
	_ =	sdelay $0x9  }
0x76: {  	v4, _, _ =	vpop (xrf2)  }
0x77: {  	v4 =	vbroadcast v4, $0xF;
	_ =	sdelay $0x1  }
0x78: {  	v5 =	vshra.s32 v4, $0x1;
	v6 =	vmul.f32 $5.000000000e-01, v4  }
0x79: {  	v5 =	vsub.s32 $0x5F3759DF, v5  }
0x7a: {  	v7 =	vmul.f32 v5, v6;
	_ =	sdelay $0x1  }
0x7b: {  	v7 =	vmul.f32 v5, v7;
	_ =	sdelay $0x1  }
0x7c: {  	v7 =	vsub.f32 $1.500000000e+00, v7;
	_ =	sdelay $0x1  }
0x7d: {  	v5 =	vmul.f32 v5, v7;
	_ =	sdelay $0x1  }
0x7e: {  	v7 =	vmul.f32 v5, v6;
	_ =	sdelay $0x1  }
0x7f: {  	v7 =	vmul.f32 v7, v5;
	_ =	sdelay $0x1  }
0x80: {  	v7 =	vsub.f32 $1.500000000e+00, v7;
	_ =	sdelay $0x1  }
0x81: {  	v5 =	vmul.f32 v7, v5;
	_ =	sdelay $0x1  }
0x82: {  	v6 =	vmul.f32 v5, v6;
	_ =	sdelay $0x1  }
0x83: {  	v6 =	vmul.f32 v6, v5;
	_ =	sdelay $0x1  }
0x84: {  	v6 =	vsub.f32 $1.500000000e+00, v6;
	_ =	sdelay $0x1  }
0x85: {  	v5 =	vmul.f32 v6, v5;
	_ =	sdelay $0x1  }
0x86: {  	v5 =	vmul.f32 v5, v4;
	_ =	sdelay $0x1  }
0x87: {  	v5 =	vadd.f32 $1.000000010e-07, v5;
	_ =	sdelay $0x1  }
0x88: {  	(erf) = vrcp.f32 v5;
	_ =	sdelay $0x8  }
0x89: {  	v5 =	vpop (erf)  }
0x8a: {  	v5 =	vmul.f32 $9.998999830e-01, v5  }
0x8b: {  	vm0 =	vgt.f32 v4, $9.998000260e-01  }
0x8c: {  	v4 =	vnsel vm0, $0x3F800000, v5  }
.Ltmp6:
0x8d: {  	v2 =	vmul.f32 v4, v2;
	v0 =	vmul.f32 v4, v0;
	(pc) =	sbr.rel @p0 .LBB2_6-.Ltmp6, $4  }
0x8e: {  	v5 =	vmul.f32 v4, v1;
	v1 =	vmul.f32 v4, v3  }
0x8f: {  	[tilespmem:s23+$0xCA00] =	vst v2  }
0x90: {  	s25 =	sshra.s32 s24, $0x2;
	[tilespmem:s23+$0xCA10] =	vst v0  }
0x91: {  	s24 =	sadd.s32 $0x200, s24;
	v0 =	vld [tilespmem:s25+$0xCA10];
	[tilespmem:s23+$0xCA20] =	vst v5  }
0x92: {  	v2 =	vld [tilespmem:s25+$0xCA00]  }
0x93: {  	[tilespmem:s23+$0xCA30] =	vst v1  }
0x94: {  	v1 =	vld [tilespmem:s25+$0xCA20];
	_ =	sdelay $0x1  }
0x95: {  	v3 =	vld [tilespmem:s25+$0xCA30]  }
0x96: {  	v5 =	vmul.f32 v0, v0;
	v4 =	vmul.f32 v2, v2;
	_ =	sdelay $0x1  }
0x97: {  	v59 =	vmul.f32 v1, v1;
	v4 =	vadd.f32 v5, v4;
	_ =	sdelay $0x1  }
0x98: {  	v60 =	vmul.f32 v3, v3;
	v4 =	vadd.f32 v59, v4;
	_ =	sdelay $0x1  }
0x99: {  	v4 =	vadd.f32 v60, v4;
	_ =	sdelay $0x1  }
0x9a: {  	(xrf2) =	vadd.scan.msk.f32 $0xffff, v4;
	_ =	sdelay $0x9  }
0x9b: {  	v4, _, _ =	vpop (xrf2)  }
0x9c: {  	v4 =	vbroadcast v4, $0xF;
	_ =	sdelay $0x1  }
0x9d: {  	v61 =	vshra.s32 v4, $0x1;
	v6 =	vmul.f32 $5.000000000e-01, v4  }
0x9e: {  	v5 =	vsub.s32 $0x5F3759DF, v61  }
0x9f: {  	v7 =	vmul.f32 v5, v6;
	_ =	sdelay $0x1  }
0xa0: {  	v7 =	vmul.f32 v5, v7;
	_ =	sdelay $0x1  }
0xa1: {  	v7 =	vsub.f32 $1.500000000e+00, v7;
	_ =	sdelay $0x1  }
0xa2: {  	v5 =	vmul.f32 v5, v7;
	_ =	sdelay $0x1  }
0xa3: {  	v7 =	vmul.f32 v5, v6;
	_ =	sdelay $0x1  }
0xa4: {  	v7 =	vmul.f32 v7, v5;
	_ =	sdelay $0x1  }
0xa5: {  	v7 =	vsub.f32 $1.500000000e+00, v7;
	_ =	sdelay $0x1  }
0xa6: {  	v5 =	vmul.f32 v7, v5;
	_ =	sdelay $0x1  }
0xa7: {  	v6 =	vmul.f32 v5, v6;
	_ =	sdelay $0x1  }
0xa8: {  	v6 =	vmul.f32 v6, v5;
	_ =	sdelay $0x1  }
0xa9: {  	v6 =	vsub.f32 $1.500000000e+00, v6;
	_ =	sdelay $0x1  }
0xaa: {  	v5 =	vmul.f32 v6, v5;
	_ =	sdelay $0x1  }
0xab: {  	v5 =	vmul.f32 v5, v4;
	_ =	sdelay $0x1  }
0xac: {  	v5 =	vadd.f32 $1.000000010e-07, v5;
	_ =	sdelay $0x1  }
0xad: {  	(erf) = vrcp.f32 v5;
	_ =	sdelay $0x8  }
0xae: {  	v5 =	vpop (erf)  }
0xaf: {  	v5 =	vmul.f32 $9.998999830e-01, v5  }
0xb0: {  	vm0 =	vgt.f32 v4, $9.998000260e-01  }
0xb1: {  	v4 =	vnsel vm0, $0x3F800000, v5  }
0xb2: {  	v2 =	vmul.f32 v4, v2  }
0xb3: {  	v62 =	vmul.f32 v4, v0  }
0xb4: {  	v1 =	vmul.f32 v4, v1;
	[tilespmem:s25+$0xCA00] =	vst v2  }
0xb5: {  	v63 =	vmul.f32 v4, v3;
	[tilespmem:s25+$0xCA10] =	vst v62  }
0xb6: {  	[tilespmem:s25+$0xCA20] =	vst v1  }
0xb7: {  	[tilespmem:s25+$0xCA30] =	vst v63  }
.LBB2_8:
0xb8: {  	s23 =	sadd.s32 s5, s22  }
0xb9: {  	s23 =	sshll.u32 s23, $0x4  }
0xba: {  	s23 =	sadd.s32 s6, s23  }
0xbb: {  	[hbm4b:s23+s4] =	stream.linear.scatter [tilespmem:s17], [sflag:$0x3], $0x6400, $0x38;
	[tilespmem:$0x12E00] =	vst v63  }
0xbc: {  	_ =	swait.ge [sflag:s11], $0x6400  }
0xbd: {  	[sflag:s11] =	ssyncset.done $0x0  }
0xbe: {  	p0 =	seq.s32 s20, $0xF;
	[sflag:s11] =	ssyncadd.s32 $0xFFFF9C00  }
0xbf: {  	s22 =	sadd.s32 @!p0 s22, s9;
	_ =	swait.ge [sflag:s18], $0x6400  }
0xc0: {  	s22 =	sshrl.u32 @!p0 s22, $0x3;
	[sflag:s18] =	ssyncset.done $0x0  }
0xc1: {  	s22 =	sadd.s32 @!p0 s1, s22;
	s23 =	simm.s32 @!p0 $0x0;
	[sflag:s18] =	ssyncadd.s32 $0xFFFF9C00  }
0xc2: {  	[tilespmem:s23], [sflag:$0x3] =	stream.linear.gather @!p0 [hbm4b:s22+s23], $0xC8, $0x38;
	[tilespmem:$0x12E00] =	vst v63  }
0xc3: {  	s22 =	simm.s32 @!p0 $0x3  }
0xc4: {  	_ =	swait.ge @!p0 [sflag:s22], $0xC8  }
0xc5: {  	s31 =	simm.s32 $0x0;
	[sflag:s22] =	ssyncset.done @!p0 $0x0  }
0xc6: {  	s24 =	simm.s32 @!p0 $0x200;
	[sflag:s22] =	ssyncadd.s32 @!p0 $0xFFFFFF38;
	s22 =	simm.s32 @!p0 $0xC8  }
0xc7: {  	[tilespmem:s24], [sflag:$0x1] =	stream.indirect.gather @!p0 [hbm4b:s3+s22], $0x80, s23, s22, $0xb8;
	[tilespmem:$0x12E00] =	vst v63  }
0xc8: {  	v0 =	vld [tilespmem:s31+$0x6600]  }
0xc9: {  	v1 =	vld [tilespmem:s31+$0x6610];
	_ =	sdelay $0x1  }
0xca: {  	v3 =	vld [tilespmem:s31+$0x6620];
	_ =	sdelay $0x1  }
0xcb: {  	s22 =	simm.s32 $0x80;
	v5 =	vld [tilespmem:s31+$0x6630];
	[tilespmem:s31+$0xCA00] =	vst v0  }
0xcc: {  	v4 =	vmul.f32 v0, v0;
	v2 =	vld [tilespmem:s22+$0x6600];
	[tilespmem:s31+$0xCA10] =	vst v1;
	v1 =	vmul.f32 v1, v1  }
0xcd: {  	v0 =	vld [tilespmem:s22+$0x6610]  }
0xce: {  	v6 =	vmul.f32 v3, v3;
	[tilespmem:s31+$0xCA20] =	vst v3;
	v4 =	vadd.f32 v1, v4  }
0xcf: {  	v1 =	vld [tilespmem:s22+$0x6620]  }
0xd0: {  	s23 =	simm.s32 $0x400;
	v3 =	vimm.f32 $0.0e+00;
	[tilespmem:s31+$0xCA30] =	vst v5;
	v5 =	vmul.f32 v5, v5;
	v4 =	vadd.f32 v6, v4  }
.LBB2_9:
0xd1: {  	s24 =	sshra.s32 s23, $0x2;
	[tilespmem:s22+$0xCA00] =	vst v2;
	v6 =	vld [tilespmem:s22+$0x6630];
	p0 =	sne.s32 s23, $0x18E00  }
.Ltmp7:
0xd2: {  	s23 =	sadd.s32 $0x200, s23;
	v7 =	vmul.f32 v2, v2;
	v2 =	vld [tilespmem:s24+$0x6600];
	[tilespmem:s22+$0xCA10] =	vst v0;
	v8 =	vmul.f32 v0, v0;
	v4 =	vadd.f32 v5, v4;
	(pc) =	sbr.rel @p0 .LBB2_9-.Ltmp7, $4  }
0xd3: {  	v0 =	vld [tilespmem:s24+$0x6610]  }
0xd4: {  	v5 =	vadd.f32 v8, v7;
	[tilespmem:s22+$0xCA20] =	vst v1;
	v7 =	vmul.f32 v1, v1;
	v3 =	vmax.f32 v3, v4  }
0xd5: {  	v1 =	vld [tilespmem:s24+$0x6620]  }
0xd6: {  	v4 =	vadd.f32 v7, v5;
	[tilespmem:s22+$0xCA30] =	vst v6;
	v5 =	vmul.f32 v6, v6;
	s22 =	smov.u32 s24  }
0xd7: {  	v6 =	vld [tilespmem:s22+$0x6630]  }
0xd8: {  	v61 =	vmul.f32 v2, v2;
	v7 =	vmul.f32 v0, v0;
	_ =	sdelay $0x1  }
0xd9: {  	[tilespmem:s22+$0xCA00] =	vst v2;
	v2 =	vadd.f32 v7, v61;
	v62 =	vmul.f32 v1, v1;
	_ =	sdelay $0x1  }
0xda: {  	v2 =	vadd.f32 v62, v2;
	v63 =	vmul.f32 v6, v6  }
0xdb: {  	v4 =	vadd.f32 v5, v4  }
0xdc: {  	v2 =	vadd.f32 v63, v2  }
0xdd: {  	v3 =	vmax.f32 v3, v4  }
0xde: {  	v2 =	vmax.f32 v3, v2  }
0xdf: {  	(xrf2) =	vadd.scan.msk.f32 $0xffff, v2;
	_ =	sdelay $0x9  }
0xe0: {  	v2, _, _ =	vpop (xrf2)  }
0xe1: {  	(v2sf) =	vpush v2, $0xF;
	_ =	sdelay $0xe  }
0xe2: {  	s23 =	spop (v2sf)  }
0xe3: {  	p0 =	sgt.f32 s23, $9.998000260e-01  }
.Ltmp8:
0xe4: {  	_ = 	snop;
	(pc) =	sbr.rel @!p0 .LBB2_14-.Ltmp8, $4  }
0xe5: {  	_ = 	snop  }
0xe6: {  	[tilespmem:s22+$0xCA10] =	vst v0  }
0xe7: {  	[tilespmem:s22+$0xCA20] =	vst v1  }
0xe8: {  	[tilespmem:s22+$0xCA30] =	vst v6  }
0xe9: {  	s22 =	simm.s32 $0x0  }
0xea: {  	v0 =	vld [tilespmem:s22+$0xCA10]  }
0xeb: {  	v1 =	vld [tilespmem:s22+$0xCA00];
	_ =	sdelay $0x1  }
0xec: {  	v2 =	vld [tilespmem:s22+$0xCA20];
	_ =	sdelay $0x1  }
0xed: {  	v3 =	vld [tilespmem:s22+$0xCA30]  }
0xee: {  	v4 =	vmul.f32 v1, v1;
	v5 =	vmul.f32 v0, v0;
	_ =	sdelay $0x1  }
0xef: {  	v61 =	vmul.f32 v2, v2;
	v4 =	vadd.f32 v5, v4;
	_ =	sdelay $0x1  }
0xf0: {  	v62 =	vmul.f32 v3, v3;
	v4 =	vadd.f32 v61, v4;
	_ =	sdelay $0x1  }
0xf1: {  	v4 =	vadd.f32 v62, v4;
	_ =	sdelay $0x1  }
0xf2: {  	(xrf2) =	vadd.scan.msk.f32 $0xffff, v4;
	_ =	sdelay $0x9  }
0xf3: {  	v4, _, _ =	vpop (xrf2)  }
0xf4: {  	v4 =	vbroadcast v4, $0xF;
	_ =	sdelay $0x1  }
0xf5: {  	v63 =	vshra.s32 v4, $0x1;
	v6 =	vmul.f32 $5.000000000e-01, v4  }
0xf6: {  	v5 =	vsub.s32 $0x5F3759DF, v63  }
0xf7: {  	v7 =	vmul.f32 v5, v6;
	_ =	sdelay $0x1  }
0xf8: {  	v7 =	vmul.f32 v5, v7;
	_ =	sdelay $0x1  }
0xf9: {  	v7 =	vsub.f32 $1.500000000e+00, v7;
	_ =	sdelay $0x1  }
0xfa: {  	v5 =	vmul.f32 v5, v7;
	_ =	sdelay $0x1  }
0xfb: {  	v7 =	vmul.f32 v5, v6;
	_ =	sdelay $0x1  }
0xfc: {  	v7 =	vmul.f32 v7, v5;
	_ =	sdelay $0x1  }
0xfd: {  	v7 =	vsub.f32 $1.500000000e+00, v7;
	_ =	sdelay $0x1  }
0xfe: {  	v5 =	vmul.f32 v7, v5;
	_ =	sdelay $0x1  }
0xff: {  	v6 =	vmul.f32 v5, v6;
	_ =	sdelay $0x1  }
0x100: {  	v6 =	vmul.f32 v6, v5;
	_ =	sdelay $0x1  }
0x101: {  	v6 =	vsub.f32 $1.500000000e+00, v6;
	_ =	sdelay $0x1  }
0x102: {  	v5 =	vmul.f32 v6, v5;
	_ =	sdelay $0x1  }
0x103: {  	v5 =	vmul.f32 v5, v4;
	_ =	sdelay $0x1  }
0x104: {  	v5 =	vadd.f32 $1.000000010e-07, v5;
	_ =	sdelay $0x1  }
0x105: {  	(erf) = vrcp.f32 v5;
	_ =	sdelay $0x8  }
0x106: {  	v5 =	vpop (erf)  }
0x107: {  	v5 =	vmul.f32 $9.998999830e-01, v5  }
0x108: {  	vm0 =	vgt.f32 v4, $9.998000260e-01  }
0x109: {  	v4 =	vnsel vm0, $0x3F800000, v5  }
0x10a: {  	v1 =	vmul.f32 v4, v1  }
0x10b: {  	v0 =	vmul.f32 v4, v0  }
0x10c: {  	v2 =	vmul.f32 v4, v2;
	[tilespmem:s22+$0xCA00] =	vst v1  }
0x10d: {  	s24 =	simm.s32 $0x80;
	[tilespmem:s22+$0xCA10] =	vst v0;
	v1 =	vmul.f32 v4, v3  }
0x10e: {  	s23 =	simm.s32 $0x400;
	v0 =	vld [tilespmem:s24+$0xCA10];
	[tilespmem:s22+$0xCA20] =	vst v2  }
.LBB2_12:
0x10f: {  	p0 =	sne.s32 s23, $0x18E00;
	v2 =	vld [tilespmem:s24+$0xCA00];
	[tilespmem:s22+$0xCA30] =	vst v1;
	s22 =	smov.u32 s24;
	_ =	sdelay $0x1  }
0x110: {  	v1 =	vld [tilespmem:s22+$0xCA20];
	_ =	sdelay $0x1  }
0x111: {  	v3 =	vld [tilespmem:s22+$0xCA30]  }
0x112: {  	v5 =	vmul.f32 v0, v0;
	v4 =	vmul.f32 v2, v2;
	_ =	sdelay $0x1  }
0x113: {  	v4 =	vadd.f32 v5, v4;
	v5 =	vmul.f32 v1, v1;
	_ =	sdelay $0x1  }
0x114: {  	v4 =	vadd.f32 v5, v4;
	v5 =	vmul.f32 v3, v3;
	_ =	sdelay $0x1  }
0x115: {  	v4 =	vadd.f32 v5, v4;
	_ =	sdelay $0x1  }
0x116: {  	(xrf2) =	vadd.scan.msk.f32 $0xffff, v4;
	_ =	sdelay $0x9  }
0x117: {  	v4, _, _ =	vpop (xrf2)  }
0x118: {  	v4 =	vbroadcast v4, $0xF;
	_ =	sdelay $0x1  }
0x119: {  	v5 =	vshra.s32 v4, $0x1;
	v6 =	vmul.f32 $5.000000000e-01, v4  }
0x11a: {  	v5 =	vsub.s32 $0x5F3759DF, v5  }
0x11b: {  	v7 =	vmul.f32 v5, v6;
	_ =	sdelay $0x1  }
0x11c: {  	v7 =	vmul.f32 v5, v7;
	_ =	sdelay $0x1  }
0x11d: {  	v7 =	vsub.f32 $1.500000000e+00, v7;
	_ =	sdelay $0x1  }
0x11e: {  	v5 =	vmul.f32 v5, v7;
	_ =	sdelay $0x1  }
0x11f: {  	v7 =	vmul.f32 v5, v6;
	_ =	sdelay $0x1  }
0x120: {  	v7 =	vmul.f32 v7, v5;
	_ =	sdelay $0x1  }
0x121: {  	v7 =	vsub.f32 $1.500000000e+00, v7;
	_ =	sdelay $0x1  }
0x122: {  	v5 =	vmul.f32 v7, v5;
	_ =	sdelay $0x1  }
0x123: {  	v6 =	vmul.f32 v5, v6;
	_ =	sdelay $0x1  }
0x124: {  	v6 =	vmul.f32 v6, v5;
	_ =	sdelay $0x1  }
0x125: {  	v6 =	vsub.f32 $1.500000000e+00, v6;
	_ =	sdelay $0x1  }
0x126: {  	v5 =	vmul.f32 v6, v5;
	_ =	sdelay $0x1  }
0x127: {  	v5 =	vmul.f32 v5, v4;
	_ =	sdelay $0x1  }
0x128: {  	v5 =	vadd.f32 $1.000000010e-07, v5;
	_ =	sdelay $0x1  }
0x129: {  	(erf) = vrcp.f32 v5;
	_ =	sdelay $0x8  }
0x12a: {  	v5 =	vpop (erf)  }
0x12b: {  	v5 =	vmul.f32 $9.998999830e-01, v5  }
0x12c: {  	vm0 =	vgt.f32 v4, $9.998000260e-01  }
0x12d: {  	v4 =	vnsel vm0, $0x3F800000, v5  }
.Ltmp9:
0x12e: {  	v2 =	vmul.f32 v4, v2;
	v0 =	vmul.f32 v4, v0;
	(pc) =	sbr.rel @p0 .LBB2_12-.Ltmp9, $4  }
0x12f: {  	v5 =	vmul.f32 v4, v1;
	v1 =	vmul.f32 v4, v3  }
0x130: {  	[tilespmem:s22+$0xCA00] =	vst v2  }
0x131: {  	s24 =	sshra.s32 s23, $0x2;
	[tilespmem:s22+$0xCA10] =	vst v0  }
0x132: {  	s23 =	sadd.s32 $0x200, s23;
	v0 =	vld [tilespmem:s24+$0xCA10];
	[tilespmem:s22+$0xCA20] =	vst v5  }
0x133: {  	v2 =	vld [tilespmem:s24+$0xCA00]  }
0x134: {  	[tilespmem:s22+$0xCA30] =	vst v1  }
0x135: {  	v1 =	vld [tilespmem:s24+$0xCA20];
	_ =	sdelay $0x1  }
0x136: {  	v3 =	vld [tilespmem:s24+$0xCA30]  }
0x137: {  	v5 =	vmul.f32 v0, v0;
	v4 =	vmul.f32 v2, v2;
	_ =	sdelay $0x1  }
0x138: {  	v59 =	vmul.f32 v1, v1;
	v4 =	vadd.f32 v5, v4;
	_ =	sdelay $0x1  }
0x139: {  	v60 =	vmul.f32 v3, v3;
	v4 =	vadd.f32 v59, v4;
	_ =	sdelay $0x1  }
0x13a: {  	v4 =	vadd.f32 v60, v4;
	_ =	sdelay $0x1  }
0x13b: {  	(xrf2) =	vadd.scan.msk.f32 $0xffff, v4;
	_ =	sdelay $0x9  }
0x13c: {  	v4, _, _ =	vpop (xrf2)  }
0x13d: {  	v4 =	vbroadcast v4, $0xF;
	_ =	sdelay $0x1  }
0x13e: {  	v61 =	vshra.s32 v4, $0x1;
	v6 =	vmul.f32 $5.000000000e-01, v4  }
0x13f: {  	v5 =	vsub.s32 $0x5F3759DF, v61  }
0x140: {  	v7 =	vmul.f32 v5, v6;
	_ =	sdelay $0x1  }
0x141: {  	v7 =	vmul.f32 v5, v7;
	_ =	sdelay $0x1  }
0x142: {  	v7 =	vsub.f32 $1.500000000e+00, v7;
	_ =	sdelay $0x1  }
0x143: {  	v5 =	vmul.f32 v5, v7;
	_ =	sdelay $0x1  }
0x144: {  	v7 =	vmul.f32 v5, v6;
	_ =	sdelay $0x1  }
0x145: {  	v7 =	vmul.f32 v7, v5;
	_ =	sdelay $0x1  }
0x146: {  	v7 =	vsub.f32 $1.500000000e+00, v7;
	_ =	sdelay $0x1  }
0x147: {  	v5 =	vmul.f32 v7, v5;
	_ =	sdelay $0x1  }
0x148: {  	v6 =	vmul.f32 v5, v6;
	_ =	sdelay $0x1  }
0x149: {  	v6 =	vmul.f32 v6, v5;
	_ =	sdelay $0x1  }
0x14a: {  	v6 =	vsub.f32 $1.500000000e+00, v6;
	_ =	sdelay $0x1  }
0x14b: {  	v5 =	vmul.f32 v6, v5;
	_ =	sdelay $0x1  }
0x14c: {  	v5 =	vmul.f32 v5, v4;
	_ =	sdelay $0x1  }
0x14d: {  	v5 =	vadd.f32 $1.000000010e-07, v5;
	_ =	sdelay $0x1  }
0x14e: {  	(erf) = vrcp.f32 v5;
	_ =	sdelay $0x8  }
0x14f: {  	v5 =	vpop (erf)  }
0x150: {  	v5 =	vmul.f32 $9.998999830e-01, v5  }
0x151: {  	vm0 =	vgt.f32 v4, $9.998000260e-01  }
0x152: {  	v4 =	vnsel vm0, $0x3F800000, v5  }
0x153: {  	v2 =	vmul.f32 v4, v2  }
.Ltmp10:
0x154: {  	v62 =	vmul.f32 v4, v0;
	(pc) =	sbr.rel .LBB2_14-.Ltmp10, $4  }
0x155: {  	v1 =	vmul.f32 v4, v1;
	[tilespmem:s24+$0xCA00] =	vst v2  }
0x156: {  	v63 =	vmul.f32 v4, v3;
	[tilespmem:s24+$0xCA10] =	vst v62  }
0x157: {  	[tilespmem:s24+$0xCA20] =	vst v1  }
0x158: {  	[tilespmem:s24+$0xCA30] =	vst v63  }
.LBB2_16:
0x159: {  	_ =	sfence.sel $0x180000  }
0x15a: {  	[bflag:$0x0] =	sbarrier.arrive $0xFFFF  }
0x15b: {  	p0 =	sne.s32 s0, $0x0;
	_ =	strace $0x90000047  }
0x15c: {  	s0 =	sadd.s32 @!p0 $0x100000, s2;
	[bflag:$0x2] =	sbarrier.arrive $0xFFFF  }
0x15d: {  	[sflag:s0] =	ssyncadd.tile.s32 @!p0 $0x1;
	_ =	shalt  }
.Lfunc_end2:
_tile_overlayer_lowered:
.L_overlay_start_2:
0x15e: {  	(tag) =	ssettag $0x2  }
0x15f: {  	s0 =	rddreg [dreg:$0x0];
	s2 =	stileid.u32  }
0x160: {  	s1 =	rddreg [dreg:$0x1];
	p0 =	sne.s32 s2, $0x0  }
0x161: {  	s3 =	rddreg [dreg:$0x2];
	[bflag:$0x3] =	sbarrier.arrive $0xFFFF;
	s2 =	simm.s32 @!p0 $0x1C03  }
0x162: {  	[timem:s3], [sflag:s2] =	dma.local @!p0 [hbm:s0], s1  }
0x163: {  	s0 =	simm.s32 @!p0 $0x3  }
0x164: {  	_ =	swait.ge @!p0 [sflag:s0], s1  }
0x165: {  	s1 =	ssub.s32 @!p0 $0x0, s1;
	[sflag:s0] =	ssyncset.done @!p0 $0x0  }
0x166: {  	[sflag:s0] =	ssyncadd.s32 @!p0 s1  }
0x167: {  	[bflag:$0x3] =	sbarrier.arrive $0xFFFF  }
0x168: {  	_ =	shalt  }

</sc_bundles>
